<compile_context>
chip_gen: v7x
topology: tpu7x:2x2x1
jax: 0.10.2.dev20260603
libtpu: 0.0.44.dev20260713+nightly
codegen_flags: <defaults>
</compile_context>

<pallas_src>
import dataclasses

import jax
import jax.numpy as jnp
from jax import lax
from jax.experimental import pallas as pl
from jax.experimental.pallas import tpu as pltpu
from jax.experimental.pallas import tpu_sc as plsc

B = 16384
EMB = 32
L = 16
NC, NS = 2, 16
NW = NC * NS
BPW = B // NW
RING = 8
LANE = 128


def _win_off(i):
    return pl.multiple_of((i >> 7) * LANE, LANE)


def _mf_body(ux_hbm, ix_hbm, ut_hbm, vt_hbm, out_hbm,
             uidx_v, vidx_v, ublk, vblk, out_v, usem, vsem):
    wid = lax.axis_index("s") * NC + lax.axis_index("c")
    base = wid * BPW
    pltpu.sync_copy(ux_hbm.at[pl.ds(base, BPW)], uidx_v.at[pl.ds(0, BPW)])
    pltpu.sync_copy(ix_hbm.at[pl.ds(base, BPW)], vidx_v.at[pl.ds(0, BPW)])

    def issue(j, ui, vi):
        pltpu.async_copy(ut_hbm.at[:, pl.ds(_win_off(ui), LANE)], ublk[j], usem)
        pltpu.async_copy(vt_hbm.at[:, pl.ds(_win_off(vi), LANE)], vblk[j], vsem)

    pvec_u = uidx_v[pl.ds(0, L)]
    pvec_v = vidx_v[pl.ds(0, L)]
    for j in range(RING):
        issue(j, pvec_u[j], pvec_v[j])

    c_lo = lax.iota(jnp.int32, L)
    c_hi = c_lo + L
    last_lane = c_lo == (L - 1)

    @pl.loop(0, BPW // RING)
    def _(g):
        e0 = g * RING
        uvec = uidx_v[pl.ds(e0, L)]
        vvec = vidx_v[pl.ds(e0, L)]
        lu_all = uvec & (LANE - 1)
        lv_all = vvec & (LANE - 1)
        for j in range(RING):
            e = e0 + j
            pltpu.make_async_copy(
                ut_hbm.at[:, pl.ds(0, LANE)], ublk[j], usem).wait()
            pltpu.make_async_copy(
                vt_hbm.at[:, pl.ds(0, LANE)], vblk[j], vsem).wait()
            lu = jnp.full((L,), lu_all[j], jnp.int32)
            lv = jnp.full((L,), lv_all[j], jnp.int32)
            u0 = plsc.load_gather(ublk[j], [c_lo, lu])
            u1 = plsc.load_gather(ublk[j], [c_hi, lu])
            v0 = plsc.load_gather(vblk[j], [c_lo, lv])
            v1 = plsc.load_gather(vblk[j], [c_hi, lv])
            s = plsc.cumsum(u0 * v0 + u1 * v1)
            plsc.store_compressed(out_v.at[pl.ds(e, L)], s, mask=last_lane)

            @pl.when(e + RING < BPW)
            def _():
                issue(j, uvec[j + RING], vvec[j + RING])

    pltpu.sync_copy(out_v.at[pl.ds(0, BPW)], out_hbm.at[pl.ds(base, BPW)])


def kernel(ux, ix, U, V):
    mesh = plsc.VectorSubcoreMesh(core_axis_name="c", subcore_axis_name="s")
    cp = pltpu.CompilerParams()
    if "needs_layout_passes" in pltpu.CompilerParams.__dataclass_fields__:
        cp = dataclasses.replace(cp, needs_layout_passes=False)
    if "use_tc_tiling_on_sc" in pltpu.CompilerParams.__dataclass_fields__:
        cp = dataclasses.replace(cp, use_tc_tiling_on_sc=True)
    k = pl.kernel(
        _mf_body,
        out_type=jax.ShapeDtypeStruct((B,), jnp.float32),
        mesh=mesh,
        scratch_types=[
            pltpu.VMEM((BPW + L,), jnp.int32),
            pltpu.VMEM((BPW + L,), jnp.int32),
            [pltpu.VMEM((EMB, LANE), jnp.float32) for _ in range(RING)],
            [pltpu.VMEM((EMB, LANE), jnp.float32) for _ in range(RING)],
            pltpu.VMEM((BPW + L,), jnp.float32),
            pltpu.SemaphoreType.DMA,
            pltpu.SemaphoreType.DMA,
        ],
        compiler_params=cp,
    )
    return k(ux.astype(jnp.int32), ix.astype(jnp.int32), U.T, V.T)

# --- scband reference (transcript-rebuilt; emitter-appended) ---
"""Pipeline reference for scband-mf-23089744183545 (READ-ONLY COPY).

The authoritative reference and input builder live on the scoring server;
editing this copy changes nothing except your own understanding.
"""

import jax, jax.numpy as jnp
import numpy as np

N_USERS = 1000000
N_ITEMS = 1000000
EMB = 32
BATCH = 16384

def setup_inputs(seed: int = 0) -> dict:
    key = jax.random.key(seed)
    k1, k2, k3, k4 = jax.random.split(key, 4)
    ux = jax.random.randint(k1, (BATCH,), 0, N_USERS, dtype=jnp.int64 if jax.config.jax_enable_x64 else jnp.int32)
    ix = jax.random.randint(k2, (BATCH,), 0, N_ITEMS, dtype=jnp.int64 if jax.config.jax_enable_x64 else jnp.int32)
    U = jax.random.normal(k3, (N_USERS, EMB), dtype=jnp.float32)
    V = jax.random.normal(k4, (N_ITEMS, EMB), dtype=jnp.float32)
    return {"ux": ux, "ix": ix, "U": U, "V": V}

def reference(ux, ix, U, V):
    # MF.forward: sum(u(ux) * i(ix), dim=1)
    ue = jnp.take(U, ux, axis=0)  # [B, EMB]
    ve = jnp.take(V, ix, axis=0)  # [B, EMB]
    return jnp.sum(ue * ve, axis=1)  # [B]

if __name__ == "__main__":
    import jax
    _d = setup_inputs()
    print(jax.jit(kernel)(*tuple(_d.values())))

</pallas_src>

<mosaic_0001>
#map = affine_map<(d0, d1) -> (0)>
#map1 = affine_map<(d0, d1) -> (0, 0)>
module attributes {stable_mosaic.version = 14 : i64} {
  func.func @_mf_body(%arg0: i32, %arg1: i32, %arg2: memref<16384xi32, #tpu.memory_space<hbm>>, %arg3: memref<16384xi32, #tpu.memory_space<hbm>>, %arg4: memref<32x1000000xf32, #tpu.memory_space<hbm>>, %arg5: memref<32x1000000xf32, #tpu.memory_space<hbm>>, %arg6: memref<16384xf32, #tpu.memory_space<hbm>>, %arg7: memref<528xi32, #tpu.memory_space<vmem>>, %arg8: memref<528xi32, #tpu.memory_space<vmem>>, %arg9: memref<32x128xf32, #tpu.memory_space<vmem>>, %arg10: memref<32x128xf32, #tpu.memory_space<vmem>>, %arg11: memref<32x128xf32, #tpu.memory_space<vmem>>, %arg12: memref<32x128xf32, #tpu.memory_space<vmem>>, %arg13: memref<32x128xf32, #tpu.memory_space<vmem>>, %arg14: memref<32x128xf32, #tpu.memory_space<vmem>>, %arg15: memref<32x128xf32, #tpu.memory_space<vmem>>, %arg16: memref<32x128xf32, #tpu.memory_space<vmem>>, %arg17: memref<32x128xf32, #tpu.memory_space<vmem>>, %arg18: memref<32x128xf32, #tpu.memory_space<vmem>>, %arg19: memref<32x128xf32, #tpu.memory_space<vmem>>, %arg20: memref<32x128xf32, #tpu.memory_space<vmem>>, %arg21: memref<32x128xf32, #tpu.memory_space<vmem>>, %arg22: memref<32x128xf32, #tpu.memory_space<vmem>>, %arg23: memref<32x128xf32, #tpu.memory_space<vmem>>, %arg24: memref<32x128xf32, #tpu.memory_space<vmem>>, %arg25: memref<528xf32, #tpu.memory_space<vmem>>, %arg26: memref<!tpu.dma_semaphore, #tpu.memory_space<semaphore_mem>>, %arg27: memref<!tpu.dma_semaphore, #tpu.memory_space<semaphore_mem>>) attributes {dimension_semantics = [#tpu.dimension_semantics<core_parallel>, #tpu.dimension_semantics<subcore_parallel>], iteration_bounds = array<i64: 2, 16>, scalar_prefetch = 0 : i64, scratch_operands = 21 : i64, tpu.core_type = #tpu.core_type<sc_vector_subcore>, window_params = [{transform_indices = #map}, {transform_indices = #map}, {transform_indices = #map1}, {transform_indices = #map1}, {transform_indices = #map}]} {
    %mul3A = arith.constant 2 : i32
    %mul3A_0 = arith.muli %arg1, %mul3A : i32
    %add3A = arith.addi %mul3A_0, %arg0 : i32
    %mul3A_1 = arith.constant 512 : i32
    %mul3A_2 = arith.muli %add3A, %mul3A_1 : i32
    "tpu.region"() ({
      %run_scoped3A = tpu.sem_alloc : memref<!tpu.dma_semaphore, #tpu.memory_space<semaphore_mem>>
      %dma_start3A_186 = arith.constant 0 : i32
      %dma_start3A_187 = tpu.memref_slice %arg7[%dma_start3A_186] : memref<528xi32, #tpu.memory_space<vmem>> -> memref<512xi32, #tpu.memory_space<vmem>>
      %dma_start3A_188 = tpu.memref_slice %arg2[%mul3A_2] : memref<16384xi32, #tpu.memory_space<hbm>> -> memref<512xi32, #tpu.memory_space<hbm>>
      %dma_start3A_189 = arith.constant 0 : i32
      %dma_start3A_190 = tpu.memref_slice %arg7[%dma_start3A_189] : memref<528xi32, #tpu.memory_space<vmem>> -> memref<512xi32, #tpu.memory_space<vmem>>
      %dma_start3A_191 = tpu.memref_slice %arg2[%mul3A_2] : memref<16384xi32, #tpu.memory_space<hbm>> -> memref<512xi32, #tpu.memory_space<hbm>>
      tpu.enqueue_dma source(%dma_start3A_191 : memref<512xi32, #tpu.memory_space<hbm>>) target(%dma_start3A_190 : memref<512xi32, #tpu.memory_space<vmem>>) target_semaphore(%run_scoped3A : memref<!tpu.dma_semaphore, #tpu.memory_space<semaphore_mem>>)
      %dma_wait3A = arith.constant 0 : i32
      %dma_wait3A_192 = tpu.memref_slice %arg7[%dma_wait3A] : memref<528xi32, #tpu.memory_space<vmem>> -> memref<512xi32, #tpu.memory_space<vmem>>
      %dma_wait3A_193 = tpu.memref_slice %arg2[%mul3A_2] : memref<16384xi32, #tpu.memory_space<hbm>> -> memref<512xi32, #tpu.memory_space<hbm>>
      %dma_wait3A_194 = arith.constant 0 : i32
      %dma_wait3A_195 = tpu.memref_slice %arg7[%dma_wait3A_194] : memref<528xi32, #tpu.memory_space<vmem>> -> memref<512xi32, #tpu.memory_space<vmem>>
      %dma_wait3A_196 = tpu.memref_slice %arg2[%mul3A_2] : memref<16384xi32, #tpu.memory_space<hbm>> -> memref<512xi32, #tpu.memory_space<hbm>>
      tpu.wait_dma2 semaphore(%run_scoped3A : memref<!tpu.dma_semaphore, #tpu.memory_space<semaphore_mem>>) src(%dma_wait3A_196 : memref<512xi32, #tpu.memory_space<hbm>>) dst(%dma_wait3A_195 : memref<512xi32, #tpu.memory_space<vmem>>)
      tpu.yield
    }) : () -> ()
    "tpu.region"() ({
      %run_scoped3A = tpu.sem_alloc : memref<!tpu.dma_semaphore, #tpu.memory_space<semaphore_mem>>
      %dma_start3A_186 = arith.constant 0 : i32
      %dma_start3A_187 = tpu.memref_slice %arg8[%dma_start3A_186] : memref<528xi32, #tpu.memory_space<vmem>> -> memref<512xi32, #tpu.memory_space<vmem>>
      %dma_start3A_188 = tpu.memref_slice %arg3[%mul3A_2] : memref<16384xi32, #tpu.memory_space<hbm>> -> memref<512xi32, #tpu.memory_space<hbm>>
      %dma_start3A_189 = arith.constant 0 : i32
      %dma_start3A_190 = tpu.memref_slice %arg8[%dma_start3A_189] : memref<528xi32, #tpu.memory_space<vmem>> -> memref<512xi32, #tpu.memory_space<vmem>>
      %dma_start3A_191 = tpu.memref_slice %arg3[%mul3A_2] : memref<16384xi32, #tpu.memory_space<hbm>> -> memref<512xi32, #tpu.memory_space<hbm>>
      tpu.enqueue_dma source(%dma_start3A_191 : memref<512xi32, #tpu.memory_space<hbm>>) target(%dma_start3A_190 : memref<512xi32, #tpu.memory_space<vmem>>) target_semaphore(%run_scoped3A : memref<!tpu.dma_semaphore, #tpu.memory_space<semaphore_mem>>)
      %dma_wait3A = arith.constant 0 : i32
      %dma_wait3A_192 = tpu.memref_slice %arg8[%dma_wait3A] : memref<528xi32, #tpu.memory_space<vmem>> -> memref<512xi32, #tpu.memory_space<vmem>>
      %dma_wait3A_193 = tpu.memref_slice %arg3[%mul3A_2] : memref<16384xi32, #tpu.memory_space<hbm>> -> memref<512xi32, #tpu.memory_space<hbm>>
      %dma_wait3A_194 = arith.constant 0 : i32
      %dma_wait3A_195 = tpu.memref_slice %arg8[%dma_wait3A_194] : memref<528xi32, #tpu.memory_space<vmem>> -> memref<512xi32, #tpu.memory_space<vmem>>
      %dma_wait3A_196 = tpu.memref_slice %arg3[%mul3A_2] : memref<16384xi32, #tpu.memory_space<hbm>> -> memref<512xi32, #tpu.memory_space<hbm>>
      tpu.wait_dma2 semaphore(%run_scoped3A : memref<!tpu.dma_semaphore, #tpu.memory_space<semaphore_mem>>) src(%dma_wait3A_196 : memref<512xi32, #tpu.memory_space<hbm>>) dst(%dma_wait3A_195 : memref<512xi32, #tpu.memory_space<vmem>>)
      tpu.yield
    }) : () -> ()
    %get3A = arith.constant 0 : index
    %get3A_3 = tpu.vector_load %arg7[%get3A] {strides = array<i32>} : memref<528xi32, #tpu.memory_space<vmem>>, vector<16xi32>,
    %get3A_4 = arith.constant 0 : index
    %get3A_5 = tpu.vector_load %arg8[%get3A_4] {strides = array<i32>} : memref<528xi32, #tpu.memory_space<vmem>>, vector<16xi32>,
    %slice3A = vector.extract_strided_slice %get3A_3 {offsets = [0], sizes = [1], strides = [1]} : vector<16xi32> to vector<1xi32>
    %squeeze3A = vector.extract %slice3A[0] : i32 from vector<1xi32>
    %slice3A_6 = vector.extract_strided_slice %get3A_5 {offsets = [0], sizes = [1], strides = [1]} : vector<16xi32> to vector<1xi32>
    %squeeze3A_7 = vector.extract %slice3A_6[0] : i32 from vector<1xi32>
    %shift_right_arithmetic3A = arith.constant 7 : i32
    %shift_right_arithmetic3A_8 = arith.shrsi %squeeze3A, %shift_right_arithmetic3A : i32
    %mul3A_9 = arith.constant 128 : i32
    %mul3A_10 = arith.muli %shift_right_arithmetic3A_8, %mul3A_9 : i32
    %multiple_of3A = tpu.assume_multiple %mul3A_10, 128 : i32
    %dma_start3A = arith.constant 0 : i32
    %dma_start3A_11 = tpu.memref_slice %arg4[%dma_start3A, %multiple_of3A] : memref<32x1000000xf32, #tpu.memory_space<hbm>> -> memref<32x128xf32, #tpu.memory_space<hbm>>
    %dma_start3A_12 = arith.constant 0 : i32
    %dma_start3A_13 = tpu.memref_slice %arg4[%dma_start3A_12, %multiple_of3A] : memref<32x1000000xf32, #tpu.memory_space<hbm>> -> memref<32x128xf32, #tpu.memory_space<hbm>>
    tpu.enqueue_dma source(%dma_start3A_13 : memref<32x128xf32, #tpu.memory_space<hbm>>) target(%arg9 : memref<32x128xf32, #tpu.memory_space<vmem>>) target_semaphore(%arg26 : memref<!tpu.dma_semaphore, #tpu.memory_space<semaphore_mem>>)
    %shift_right_arithmetic3A_14 = arith.constant 7 : i32
    %shift_right_arithmetic3A_15 = arith.shrsi %squeeze3A_7, %shift_right_arithmetic3A_14 : i32
    %mul3A_16 = arith.constant 128 : i32
    %mul3A_17 = arith.muli %shift_right_arithmetic3A_15, %mul3A_16 : i32
    %multiple_of3A_18 = tpu.assume_multiple %mul3A_17, 128 : i32
    %dma_start3A_19 = arith.constant 0 : i32
    %dma_start3A_20 = tpu.memref_slice %arg5[%dma_start3A_19, %multiple_of3A_18] : memref<32x1000000xf32, #tpu.memory_space<hbm>> -> memref<32x128xf32, #tpu.memory_space<hbm>>
    %dma_start3A_21 = arith.constant 0 : i32
    %dma_start3A_22 = tpu.memref_slice %arg5[%dma_start3A_21, %multiple_of3A_18] : memref<32x1000000xf32, #tpu.memory_space<hbm>> -> memref<32x128xf32, #tpu.memory_space<hbm>>
    tpu.enqueue_dma source(%dma_start3A_22 : memref<32x128xf32, #tpu.memory_space<hbm>>) target(%arg17 : memref<32x128xf32, #tpu.memory_space<vmem>>) target_semaphore(%arg27 : memref<!tpu.dma_semaphore, #tpu.memory_space<semaphore_mem>>)
    %slice3A_23 = vector.extract_strided_slice %get3A_3 {offsets = [1], sizes = [1], strides = [1]} : vector<16xi32> to vector<1xi32>
    %squeeze3A_24 = vector.extract %slice3A_23[0] : i32 from vector<1xi32>
    %slice3A_25 = vector.extract_strided_slice %get3A_5 {offsets = [1], sizes = [1], strides = [1]} : vector<16xi32> to vector<1xi32>
    %squeeze3A_26 = vector.extract %slice3A_25[0] : i32 from vector<1xi32>
    %shift_right_arithmetic3A_27 = arith.constant 7 : i32
    %shift_right_arithmetic3A_28 = arith.shrsi %squeeze3A_24, %shift_right_arithmetic3A_27 : i32
    %mul3A_29 = arith.constant 128 : i32
    %mul3A_30 = arith.muli %shift_right_arithmetic3A_28, %mul3A_29 : i32
    %multiple_of3A_31 = tpu.assume_multiple %mul3A_30, 128 : i32
    %dma_start3A_32 = arith.constant 0 : i32
    %dma_start3A_33 = tpu.memref_slice %arg4[%dma_start3A_32, %multiple_of3A_31] : memref<32x1000000xf32, #tpu.memory_space<hbm>> -> memref<32x128xf32, #tpu.memory_space<hbm>>
    %dma_start3A_34 = arith.constant 0 : i32
    %dma_start3A_35 = tpu.memref_slice %arg4[%dma_start3A_34, %multiple_of3A_31] : memref<32x1000000xf32, #tpu.memory_space<hbm>> -> memref<32x128xf32, #tpu.memory_space<hbm>>
    tpu.enqueue_dma source(%dma_start3A_35 : memref<32x128xf32, #tpu.memory_space<hbm>>) target(%arg10 : memref<32x128xf32, #tpu.memory_space<vmem>>) target_semaphore(%arg26 : memref<!tpu.dma_semaphore, #tpu.memory_space<semaphore_mem>>)
    %shift_right_arithmetic3A_36 = arith.constant 7 : i32
    %shift_right_arithmetic3A_37 = arith.shrsi %squeeze3A_26, %shift_right_arithmetic3A_36 : i32
    %mul3A_38 = arith.constant 128 : i32
    %mul3A_39 = arith.muli %shift_right_arithmetic3A_37, %mul3A_38 : i32
    %multiple_of3A_40 = tpu.assume_multiple %mul3A_39, 128 : i32
    %dma_start3A_41 = arith.constant 0 : i32
    %dma_start3A_42 = tpu.memref_slice %arg5[%dma_start3A_41, %multiple_of3A_40] : memref<32x1000000xf32, #tpu.memory_space<hbm>> -> memref<32x128xf32, #tpu.memory_space<hbm>>
    %dma_start3A_43 = arith.constant 0 : i32
    %dma_start3A_44 = tpu.memref_slice %arg5[%dma_start3A_43, %multiple_of3A_40] : memref<32x1000000xf32, #tpu.memory_space<hbm>> -> memref<32x128xf32, #tpu.memory_space<hbm>>
    tpu.enqueue_dma source(%dma_start3A_44 : memref<32x128xf32, #tpu.memory_space<hbm>>) target(%arg18 : memref<32x128xf32, #tpu.memory_space<vmem>>) target_semaphore(%arg27 : memref<!tpu.dma_semaphore, #tpu.memory_space<semaphore_mem>>)
    %slice3A_45 = vector.extract_strided_slice %get3A_3 {offsets = [2], sizes = [1], strides = [1]} : vector<16xi32> to vector<1xi32>
    %squeeze3A_46 = vector.extract %slice3A_45[0] : i32 from vector<1xi32>
    %slice3A_47 = vector.extract_strided_slice %get3A_5 {offsets = [2], sizes = [1], strides = [1]} : vector<16xi32> to vector<1xi32>
    %squeeze3A_48 = vector.extract %slice3A_47[0] : i32 from vector<1xi32>
    %shift_right_arithmetic3A_49 = arith.constant 7 : i32
    %shift_right_arithmetic3A_50 = arith.shrsi %squeeze3A_46, %shift_right_arithmetic3A_49 : i32
    %mul3A_51 = arith.constant 128 : i32
    %mul3A_52 = arith.muli %shift_right_arithmetic3A_50, %mul3A_51 : i32
    %multiple_of3A_53 = tpu.assume_multiple %mul3A_52, 128 : i32
    %dma_start3A_54 = arith.constant 0 : i32
    %dma_start3A_55 = tpu.memref_slice %arg4[%dma_start3A_54, %multiple_of3A_53] : memref<32x1000000xf32, #tpu.memory_space<hbm>> -> memref<32x128xf32, #tpu.memory_space<hbm>>
    %dma_start3A_56 = arith.constant 0 : i32
    %dma_start3A_57 = tpu.memref_slice %arg4[%dma_start3A_56, %multiple_of3A_53] : memref<32x1000000xf32, #tpu.memory_space<hbm>> -> memref<32x128xf32, #tpu.memory_space<hbm>>
    tpu.enqueue_dma source(%dma_start3A_57 : memref<32x128xf32, #tpu.memory_space<hbm>>) target(%arg11 : memref<32x128xf32, #tpu.memory_space<vmem>>) target_semaphore(%arg26 : memref<!tpu.dma_semaphore, #tpu.memory_space<semaphore_mem>>)
    %shift_right_arithmetic3A_58 = arith.constant 7 : i32
    %shift_right_arithmetic3A_59 = arith.shrsi %squeeze3A_48, %shift_right_arithmetic3A_58 : i32
    %mul3A_60 = arith.constant 128 : i32
    %mul3A_61 = arith.muli %shift_right_arithmetic3A_59, %mul3A_60 : i32
    %multiple_of3A_62 = tpu.assume_multiple %mul3A_61, 128 : i32
    %dma_start3A_63 = arith.constant 0 : i32
    %dma_start3A_64 = tpu.memref_slice %arg5[%dma_start3A_63, %multiple_of3A_62] : memref<32x1000000xf32, #tpu.memory_space<hbm>> -> memref<32x128xf32, #tpu.memory_space<hbm>>
    %dma_start3A_65 = arith.constant 0 : i32
    %dma_start3A_66 = tpu.memref_slice %arg5[%dma_start3A_65, %multiple_of3A_62] : memref<32x1000000xf32, #tpu.memory_space<hbm>> -> memref<32x128xf32, #tpu.memory_space<hbm>>
    tpu.enqueue_dma source(%dma_start3A_66 : memref<32x128xf32, #tpu.memory_space<hbm>>) target(%arg19 : memref<32x128xf32, #tpu.memory_space<vmem>>) target_semaphore(%arg27 : memref<!tpu.dma_semaphore, #tpu.memory_space<semaphore_mem>>)
    %slice3A_67 = vector.extract_strided_slice %get3A_3 {offsets = [3], sizes = [1], strides = [1]} : vector<16xi32> to vector<1xi32>
    %squeeze3A_68 = vector.extract %slice3A_67[0] : i32 from vector<1xi32>
    %slice3A_69 = vector.extract_strided_slice %get3A_5 {offsets = [3], sizes = [1], strides = [1]} : vector<16xi32> to vector<1xi32>
    %squeeze3A_70 = vector.extract %slice3A_69[0] : i32 from vector<1xi32>
    %shift_right_arithmetic3A_71 = arith.constant 7 : i32
    %shift_right_arithmetic3A_72 = arith.shrsi %squeeze3A_68, %shift_right_arithmetic3A_71 : i32
    %mul3A_73 = arith.constant 128 : i32
    %mul3A_74 = arith.muli %shift_right_arithmetic3A_72, %mul3A_73 : i32
    %multiple_of3A_75 = tpu.assume_multiple %mul3A_74, 128 : i32
    %dma_start3A_76 = arith.constant 0 : i32
    %dma_start3A_77 = tpu.memref_slice %arg4[%dma_start3A_76, %multiple_of3A_75] : memref<32x1000000xf32, #tpu.memory_space<hbm>> -> memref<32x128xf32, #tpu.memory_space<hbm>>
    %dma_start3A_78 = arith.constant 0 : i32
    %dma_start3A_79 = tpu.memref_slice %arg4[%dma_start3A_78, %multiple_of3A_75] : memref<32x1000000xf32, #tpu.memory_space<hbm>> -> memref<32x128xf32, #tpu.memory_space<hbm>>
    tpu.enqueue_dma source(%dma_start3A_79 : memref<32x128xf32, #tpu.memory_space<hbm>>) target(%arg12 : memref<32x128xf32, #tpu.memory_space<vmem>>) target_semaphore(%arg26 : memref<!tpu.dma_semaphore, #tpu.memory_space<semaphore_mem>>)
    %shift_right_arithmetic3A_80 = arith.constant 7 : i32
    %shift_right_arithmetic3A_81 = arith.shrsi %squeeze3A_70, %shift_right_arithmetic3A_80 : i32
    %mul3A_82 = arith.constant 128 : i32
    %mul3A_83 = arith.muli %shift_right_arithmetic3A_81, %mul3A_82 : i32
    %multiple_of3A_84 = tpu.assume_multiple %mul3A_83, 128 : i32
    %dma_start3A_85 = arith.constant 0 : i32
    %dma_start3A_86 = tpu.memref_slice %arg5[%dma_start3A_85, %multiple_of3A_84] : memref<32x1000000xf32, #tpu.memory_space<hbm>> -> memref<32x128xf32, #tpu.memory_space<hbm>>
    %dma_start3A_87 = arith.constant 0 : i32
    %dma_start3A_88 = tpu.memref_slice %arg5[%dma_start3A_87, %multiple_of3A_84] : memref<32x1000000xf32, #tpu.memory_space<hbm>> -> memref<32x128xf32, #tpu.memory_space<hbm>>
    tpu.enqueue_dma source(%dma_start3A_88 : memref<32x128xf32, #tpu.memory_space<hbm>>) target(%arg20 : memref<32x128xf32, #tpu.memory_space<vmem>>) target_semaphore(%arg27 : memref<!tpu.dma_semaphore, #tpu.memory_space<semaphore_mem>>)
    %slice3A_89 = vector.extract_strided_slice %get3A_3 {offsets = [4], sizes = [1], strides = [1]} : vector<16xi32> to vector<1xi32>
    %squeeze3A_90 = vector.extract %slice3A_89[0] : i32 from vector<1xi32>
    %slice3A_91 = vector.extract_strided_slice %get3A_5 {offsets = [4], sizes = [1], strides = [1]} : vector<16xi32> to vector<1xi32>
    %squeeze3A_92 = vector.extract %slice3A_91[0] : i32 from vector<1xi32>
    %shift_right_arithmetic3A_93 = arith.constant 7 : i32
    %shift_right_arithmetic3A_94 = arith.shrsi %squeeze3A_90, %shift_right_arithmetic3A_93 : i32
    %mul3A_95 = arith.constant 128 : i32
    %mul3A_96 = arith.muli %shift_right_arithmetic3A_94, %mul3A_95 : i32
    %multiple_of3A_97 = tpu.assume_multiple %mul3A_96, 128 : i32
    %dma_start3A_98 = arith.constant 0 : i32
    %dma_start3A_99 = tpu.memref_slice %arg4[%dma_start3A_98, %multiple_of3A_97] : memref<32x1000000xf32, #tpu.memory_space<hbm>> -> memref<32x128xf32, #tpu.memory_space<hbm>>
    %dma_start3A_100 = arith.constant 0 : i32
    %dma_start3A_101 = tpu.memref_slice %arg4[%dma_start3A_100, %multiple_of3A_97] : memref<32x1000000xf32, #tpu.memory_space<hbm>> -> memref<32x128xf32, #tpu.memory_space<hbm>>
    tpu.enqueue_dma source(%dma_start3A_101 : memref<32x128xf32, #tpu.memory_space<hbm>>) target(%arg13 : memref<32x128xf32, #tpu.memory_space<vmem>>) target_semaphore(%arg26 : memref<!tpu.dma_semaphore, #tpu.memory_space<semaphore_mem>>)
    %shift_right_arithmetic3A_102 = arith.constant 7 : i32
    %shift_right_arithmetic3A_103 = arith.shrsi %squeeze3A_92, %shift_right_arithmetic3A_102 : i32
    %mul3A_104 = arith.constant 128 : i32
    %mul3A_105 = arith.muli %shift_right_arithmetic3A_103, %mul3A_104 : i32
    %multiple_of3A_106 = tpu.assume_multiple %mul3A_105, 128 : i32
    %dma_start3A_107 = arith.constant 0 : i32
    %dma_start3A_108 = tpu.memref_slice %arg5[%dma_start3A_107, %multiple_of3A_106] : memref<32x1000000xf32, #tpu.memory_space<hbm>> -> memref<32x128xf32, #tpu.memory_space<hbm>>
    %dma_start3A_109 = arith.constant 0 : i32
    %dma_start3A_110 = tpu.memref_slice %arg5[%dma_start3A_109, %multiple_of3A_106] : memref<32x1000000xf32, #tpu.memory_space<hbm>> -> memref<32x128xf32, #tpu.memory_space<hbm>>
    tpu.enqueue_dma source(%dma_start3A_110 : memref<32x128xf32, #tpu.memory_space<hbm>>) target(%arg21 : memref<32x128xf32, #tpu.memory_space<vmem>>) target_semaphore(%arg27 : memref<!tpu.dma_semaphore, #tpu.memory_space<semaphore_mem>>)
    %slice3A_111 = vector.extract_strided_slice %get3A_3 {offsets = [5], sizes = [1], strides = [1]} : vector<16xi32> to vector<1xi32>
    %squeeze3A_112 = vector.extract %slice3A_111[0] : i32 from vector<1xi32>
    %slice3A_113 = vector.extract_strided_slice %get3A_5 {offsets = [5], sizes = [1], strides = [1]} : vector<16xi32> to vector<1xi32>
    %squeeze3A_114 = vector.extract %slice3A_113[0] : i32 from vector<1xi32>
    %shift_right_arithmetic3A_115 = arith.constant 7 : i32
    %shift_right_arithmetic3A_116 = arith.shrsi %squeeze3A_112, %shift_right_arithmetic3A_115 : i32
    %mul3A_117 = arith.constant 128 : i32
    %mul3A_118 = arith.muli %shift_right_arithmetic3A_116, %mul3A_117 : i32
    %multiple_of3A_119 = tpu.assume_multiple %mul3A_118, 128 : i32
    %dma_start3A_120 = arith.constant 0 : i32
    %dma_start3A_121 = tpu.memref_slice %arg4[%dma_start3A_120, %multiple_of3A_119] : memref<32x1000000xf32, #tpu.memory_space<hbm>> -> memref<32x128xf32, #tpu.memory_space<hbm>>
    %dma_start3A_122 = arith.constant 0 : i32
    %dma_start3A_123 = tpu.memref_slice %arg4[%dma_start3A_122, %multiple_of3A_119] : memref<32x1000000xf32, #tpu.memory_space<hbm>> -> memref<32x128xf32, #tpu.memory_space<hbm>>
    tpu.enqueue_dma source(%dma_start3A_123 : memref<32x128xf32, #tpu.memory_space<hbm>>) target(%arg14 : memref<32x128xf32, #tpu.memory_space<vmem>>) target_semaphore(%arg26 : memref<!tpu.dma_semaphore, #tpu.memory_space<semaphore_mem>>)
    %shift_right_arithmetic3A_124 = arith.constant 7 : i32
    %shift_right_arithmetic3A_125 = arith.shrsi %squeeze3A_114, %shift_right_arithmetic3A_124 : i32
    %mul3A_126 = arith.constant 128 : i32
    %mul3A_127 = arith.muli %shift_right_arithmetic3A_125, %mul3A_126 : i32
    %multiple_of3A_128 = tpu.assume_multiple %mul3A_127, 128 : i32
    %dma_start3A_129 = arith.constant 0 : i32
    %dma_start3A_130 = tpu.memref_slice %arg5[%dma_start3A_129, %multiple_of3A_128] : memref<32x1000000xf32, #tpu.memory_space<hbm>> -> memref<32x128xf32, #tpu.memory_space<hbm>>
    %dma_start3A_131 = arith.constant 0 : i32
    %dma_start3A_132 = tpu.memref_slice %arg5[%dma_start3A_131, %multiple_of3A_128] : memref<32x1000000xf32, #tpu.memory_space<hbm>> -> memref<32x128xf32, #tpu.memory_space<hbm>>
    tpu.enqueue_dma source(%dma_start3A_132 : memref<32x128xf32, #tpu.memory_space<hbm>>) target(%arg22 : memref<32x128xf32, #tpu.memory_space<vmem>>) target_semaphore(%arg27 : memref<!tpu.dma_semaphore, #tpu.memory_space<semaphore_mem>>)
    %slice3A_133 = vector.extract_strided_slice %get3A_3 {offsets = [6], sizes = [1], strides = [1]} : vector<16xi32> to vector<1xi32>
    %squeeze3A_134 = vector.extract %slice3A_133[0] : i32 from vector<1xi32>
    %slice3A_135 = vector.extract_strided_slice %get3A_5 {offsets = [6], sizes = [1], strides = [1]} : vector<16xi32> to vector<1xi32>
    %squeeze3A_136 = vector.extract %slice3A_135[0] : i32 from vector<1xi32>
    %shift_right_arithmetic3A_137 = arith.constant 7 : i32
    %shift_right_arithmetic3A_138 = arith.shrsi %squeeze3A_134, %shift_right_arithmetic3A_137 : i32
    %mul3A_139 = arith.constant 128 : i32
    %mul3A_140 = arith.muli %shift_right_arithmetic3A_138, %mul3A_139 : i32
    %multiple_of3A_141 = tpu.assume_multiple %mul3A_140, 128 : i32
    %dma_start3A_142 = arith.constant 0 : i32
    %dma_start3A_143 = tpu.memref_slice %arg4[%dma_start3A_142, %multiple_of3A_141] : memref<32x1000000xf32, #tpu.memory_space<hbm>> -> memref<32x128xf32, #tpu.memory_space<hbm>>
    %dma_start3A_144 = arith.constant 0 : i32
    %dma_start3A_145 = tpu.memref_slice %arg4[%dma_start3A_144, %multiple_of3A_141] : memref<32x1000000xf32, #tpu.memory_space<hbm>> -> memref<32x128xf32, #tpu.memory_space<hbm>>
    tpu.enqueue_dma source(%dma_start3A_145 : memref<32x128xf32, #tpu.memory_space<hbm>>) target(%arg15 : memref<32x128xf32, #tpu.memory_space<vmem>>) target_semaphore(%arg26 : memref<!tpu.dma_semaphore, #tpu.memory_space<semaphore_mem>>)
    %shift_right_arithmetic3A_146 = arith.constant 7 : i32
    %shift_right_arithmetic3A_147 = arith.shrsi %squeeze3A_136, %shift_right_arithmetic3A_146 : i32
    %mul3A_148 = arith.constant 128 : i32
    %mul3A_149 = arith.muli %shift_right_arithmetic3A_147, %mul3A_148 : i32
    %multiple_of3A_150 = tpu.assume_multiple %mul3A_149, 128 : i32
    %dma_start3A_151 = arith.constant 0 : i32
    %dma_start3A_152 = tpu.memref_slice %arg5[%dma_start3A_151, %multiple_of3A_150] : memref<32x1000000xf32, #tpu.memory_space<hbm>> -> memref<32x128xf32, #tpu.memory_space<hbm>>
    %dma_start3A_153 = arith.constant 0 : i32
    %dma_start3A_154 = tpu.memref_slice %arg5[%dma_start3A_153, %multiple_of3A_150] : memref<32x1000000xf32, #tpu.memory_space<hbm>> -> memref<32x128xf32, #tpu.memory_space<hbm>>
    tpu.enqueue_dma source(%dma_start3A_154 : memref<32x128xf32, #tpu.memory_space<hbm>>) target(%arg23 : memref<32x128xf32, #tpu.memory_space<vmem>>) target_semaphore(%arg27 : memref<!tpu.dma_semaphore, #tpu.memory_space<semaphore_mem>>)
    %slice3A_155 = vector.extract_strided_slice %get3A_3 {offsets = [7], sizes = [1], strides = [1]} : vector<16xi32> to vector<1xi32>
    %squeeze3A_156 = vector.extract %slice3A_155[0] : i32 from vector<1xi32>
    %slice3A_157 = vector.extract_strided_slice %get3A_5 {offsets = [7], sizes = [1], strides = [1]} : vector<16xi32> to vector<1xi32>
    %squeeze3A_158 = vector.extract %slice3A_157[0] : i32 from vector<1xi32>
    %shift_right_arithmetic3A_159 = arith.constant 7 : i32
    %shift_right_arithmetic3A_160 = arith.shrsi %squeeze3A_156, %shift_right_arithmetic3A_159 : i32
    %mul3A_161 = arith.constant 128 : i32
    %mul3A_162 = arith.muli %shift_right_arithmetic3A_160, %mul3A_161 : i32
    %multiple_of3A_163 = tpu.assume_multiple %mul3A_162, 128 : i32
    %dma_start3A_164 = arith.constant 0 : i32
    %dma_start3A_165 = tpu.memref_slice %arg4[%dma_start3A_164, %multiple_of3A_163] : memref<32x1000000xf32, #tpu.memory_space<hbm>> -> memref<32x128xf32, #tpu.memory_space<hbm>>
    %dma_start3A_166 = arith.constant 0 : i32
    %dma_start3A_167 = tpu.memref_slice %arg4[%dma_start3A_166, %multiple_of3A_163] : memref<32x1000000xf32, #tpu.memory_space<hbm>> -> memref<32x128xf32, #tpu.memory_space<hbm>>
    tpu.enqueue_dma source(%dma_start3A_167 : memref<32x128xf32, #tpu.memory_space<hbm>>) target(%arg16 : memref<32x128xf32, #tpu.memory_space<vmem>>) target_semaphore(%arg26 : memref<!tpu.dma_semaphore, #tpu.memory_space<semaphore_mem>>)
    %shift_right_arithmetic3A_168 = arith.constant 7 : i32
    %shift_right_arithmetic3A_169 = arith.shrsi %squeeze3A_158, %shift_right_arithmetic3A_168 : i32
    %mul3A_170 = arith.constant 128 : i32
    %mul3A_171 = arith.muli %shift_right_arithmetic3A_169, %mul3A_170 : i32
    %multiple_of3A_172 = tpu.assume_multiple %mul3A_171, 128 : i32
    %dma_start3A_173 = arith.constant 0 : i32
    %dma_start3A_174 = tpu.memref_slice %arg5[%dma_start3A_173, %multiple_of3A_172] : memref<32x1000000xf32, #tpu.memory_space<hbm>> -> memref<32x128xf32, #tpu.memory_space<hbm>>
    %dma_start3A_175 = arith.constant 0 : i32
    %dma_start3A_176 = tpu.memref_slice %arg5[%dma_start3A_175, %multiple_of3A_172] : memref<32x1000000xf32, #tpu.memory_space<hbm>> -> memref<32x128xf32, #tpu.memory_space<hbm>>
    tpu.enqueue_dma source(%dma_start3A_176 : memref<32x128xf32, #tpu.memory_space<hbm>>) target(%arg24 : memref<32x128xf32, #tpu.memory_space<vmem>>) target_semaphore(%arg27 : memref<!tpu.dma_semaphore, #tpu.memory_space<semaphore_mem>>)
    %iota3A = tpu.iota {dimensions = array<i32: 0>} : vector<16xi32>
    %add3A_177 = arith.constant 16 : i32
    %add3A_178 = vector.broadcast %add3A_177 : i32 to vector<16xi32>
    %add3A_179 = arith.addi %iota3A, %add3A_178 : vector<16xi32>
    %eq3A = arith.constant 15 : i32
    %eq3A_180 = vector.broadcast %eq3A : i32 to vector<16xi32>
    %eq3A_181 = arith.cmpi eq, %iota3A, %eq3A_180 : vector<16xi32>
    %scan3A = arith.constant 0 : i32
    %scan3A_182 = arith.constant 64 : i32
    %scan3A_183 = arith.addi %scan3A, %scan3A_182 : i32
    %scan3A_184 = arith.constant 1 : i32
    scf.for %scan3A_186 = %scan3A to %scan3A_183 step %scan3A_184  : i32 {
      %mul3A_187 = arith.constant 1 : i32
      %mul3A_188 = arith.muli %scan3A_186, %mul3A_187 : i32
      %add3A_189 = arith.constant 0 : i32
      %add3A_190 = arith.addi %add3A_189, %mul3A_188 : i32
      %mul3A_191 = arith.constant 8 : i32
      %mul3A_192 = arith.muli %add3A_190, %mul3A_191 : i32
      %get3A_193 = arith.index_cast %mul3A_192 : i32 to index
      %get3A_194 = tpu.vector_load %arg7[%get3A_193] {strides = array<i32>} : memref<528xi32, #tpu.memory_space<vmem>>, vector<16xi32>,
      %get3A_195 = arith.index_cast %mul3A_192 : i32 to index
      %get3A_196 = tpu.vector_load %arg8[%get3A_195] {strides = array<i32>} : memref<528xi32, #tpu.memory_space<vmem>>, vector<16xi32>,
      %and3A = arith.constant 127 : i32
      %and3A_197 = vector.broadcast %and3A : i32 to vector<16xi32>
      %and3A_198 = arith.andi %get3A_194, %and3A_197 : vector<16xi32>
      %and3A_199 = arith.constant 127 : i32
      %and3A_200 = vector.broadcast %and3A_199 : i32 to vector<16xi32>
      %and3A_201 = arith.andi %get3A_196, %and3A_200 : vector<16xi32>
      %add3A_202 = arith.constant 0 : i32
      %add3A_203 = arith.addi %mul3A_192, %add3A_202 : i32
      %dma_wait3A = arith.constant 0 : i32
      %dma_wait3A_204 = arith.constant 0 : i32
      %dma_wait3A_205 = tpu.memref_slice %arg4[%dma_wait3A, %dma_wait3A_204] : memref<32x1000000xf32, #tpu.memory_space<hbm>> -> memref<32x128xf32, #tpu.memory_space<hbm>>
      %dma_wait3A_206 = arith.constant 0 : i32
      %dma_wait3A_207 = arith.constant 0 : i32
      %dma_wait3A_208 = tpu.memref_slice %arg4[%dma_wait3A_206, %dma_wait3A_207] : memref<32x1000000xf32, #tpu.memory_space<hbm>> -> memref<32x128xf32, #tpu.memory_space<hbm>>
      tpu.wait_dma2 semaphore(%arg26 : memref<!tpu.dma_semaphore, #tpu.memory_space<semaphore_mem>>) src(%dma_wait3A_208 : memref<32x128xf32, #tpu.memory_space<hbm>>) dst(%arg9 : memref<32x128xf32, #tpu.memory_space<vmem>>)
      %dma_wait3A_209 = arith.constant 0 : i32
      %dma_wait3A_210 = arith.constant 0 : i32
      %dma_wait3A_211 = tpu.memref_slice %arg5[%dma_wait3A_209, %dma_wait3A_210] : memref<32x1000000xf32, #tpu.memory_space<hbm>> -> memref<32x128xf32, #tpu.memory_space<hbm>>
      %dma_wait3A_212 = arith.constant 0 : i32
      %dma_wait3A_213 = arith.constant 0 : i32
      %dma_wait3A_214 = tpu.memref_slice %arg5[%dma_wait3A_212, %dma_wait3A_213] : memref<32x1000000xf32, #tpu.memory_space<hbm>> -> memref<32x128xf32, #tpu.memory_space<hbm>>
      tpu.wait_dma2 semaphore(%arg27 : memref<!tpu.dma_semaphore, #tpu.memory_space<semaphore_mem>>) src(%dma_wait3A_214 : memref<32x128xf32, #tpu.memory_space<hbm>>) dst(%arg17 : memref<32x128xf32, #tpu.memory_space<vmem>>)
      %slice3A_215 = vector.extract_strided_slice %and3A_198 {offsets = [0], sizes = [1], strides = [1]} : vector<16xi32> to vector<1xi32>
      %squeeze3A_216 = vector.extract %slice3A_215[0] : i32 from vector<1xi32>
      %broadcast_in_dim3A = vector.broadcast %squeeze3A_216 : i32 to vector<16xi32>
      %slice3A_217 = vector.extract_strided_slice %and3A_201 {offsets = [0], sizes = [1], strides = [1]} : vector<16xi32> to vector<1xi32>
      %squeeze3A_218 = vector.extract %slice3A_217[0] : i32 from vector<1xi32>
      %broadcast_in_dim3A_219 = vector.broadcast %squeeze3A_218 : i32 to vector<16xi32>
      %gather3A = tpu.vector_load_idx %arg9[%iota3A, %broadcast_in_dim3A] : memref<32x128xf32, #tpu.memory_space<vmem>>[vector<16xi32>, vector<16xi32>], vector<16xf32>,
      %gather3A_220 = tpu.vector_load_idx %arg9[%add3A_179, %broadcast_in_dim3A] : memref<32x128xf32, #tpu.memory_space<vmem>>[vector<16xi32>, vector<16xi32>], vector<16xf32>,
      %gather3A_221 = tpu.vector_load_idx %arg17[%iota3A, %broadcast_in_dim3A_219] : memref<32x128xf32, #tpu.memory_space<vmem>>[vector<16xi32>, vector<16xi32>], vector<16xf32>,
      %gather3A_222 = tpu.vector_load_idx %arg17[%add3A_179, %broadcast_in_dim3A_219] : memref<32x128xf32, #tpu.memory_space<vmem>>[vector<16xi32>, vector<16xi32>], vector<16xf32>,
      %mul3A_223 = arith.mulf %gather3A, %gather3A_221 : vector<16xf32>
      %mul3A_224 = arith.mulf %gather3A_220, %gather3A_222 : vector<16xf32>
      %add3A_225 = arith.addf %mul3A_223, %mul3A_224 : vector<16xf32>
      %broadcast_in_dim3A_226 = arith.constant true
      %broadcast_in_dim3A_227 = vector.broadcast %broadcast_in_dim3A_226 : i1 to vector<16xi1>
      %masked_cumsum3A = tpu.scan <sum>, %add3A_225 masked %broadcast_in_dim3A_227 : vector<16xf32>, vector<16xi1> -> vector<16xf32>
      %swap3A = arith.index_cast %add3A_203 : i32 to index
      %swap3A_228 = tpu.vector_load %arg25[%swap3A] masked %eq3A_181 {strides = array<i32>} : memref<528xf32, #tpu.memory_space<vmem>>, vector<16xf32>, vector<16xi1>
      tpu.vector_store %arg25[%swap3A], %masked_cumsum3A masked %eq3A_181 {strides = array<i32>} : memref<528xf32, #tpu.memory_space<vmem>>, vector<16xf32>, vector<16xi1>
      %add3A_229 = arith.constant 8 : i32
      %add3A_230 = arith.addi %add3A_203, %add3A_229 : i32
      %lt3A = arith.constant 512 : i32
      %lt3A_231 = arith.cmpi slt, %add3A_230, %lt3A : i32
      %convert_element_type3A = arith.extui %lt3A_231 : i1 to i32
      %cond3A = arith.constant 0 : i32
      %cond3A_232 = arith.cmpi ne, %convert_element_type3A, %cond3A : i32
      scf.if %cond3A_232 {
        %slice3A_506 = vector.extract_strided_slice %get3A_194 {offsets = [8], sizes = [1], strides = [1]} : vector<16xi32> to vector<1xi32>
        %squeeze3A_507 = vector.extract %slice3A_506[0] : i32 from vector<1xi32>
        %slice3A_508 = vector.extract_strided_slice %get3A_196 {offsets = [8], sizes = [1], strides = [1]} : vector<16xi32> to vector<1xi32>
        %squeeze3A_509 = vector.extract %slice3A_508[0] : i32 from vector<1xi32>
        %shift_right_arithmetic3A_510 = arith.constant 7 : i32
        %shift_right_arithmetic3A_511 = arith.shrsi %squeeze3A_507, %shift_right_arithmetic3A_510 : i32
        %mul3A_512 = arith.constant 128 : i32
        %mul3A_513 = arith.muli %shift_right_arithmetic3A_511, %mul3A_512 : i32
        %multiple_of3A_514 = tpu.assume_multiple %mul3A_513, 128 : i32
        %dma_start3A_515 = arith.constant 0 : i32
        %dma_start3A_516 = tpu.memref_slice %arg4[%dma_start3A_515, %multiple_of3A_514] : memref<32x1000000xf32, #tpu.memory_space<hbm>> -> memref<32x128xf32, #tpu.memory_space<hbm>>
        %dma_start3A_517 = arith.constant 0 : i32
        %dma_start3A_518 = tpu.memref_slice %arg4[%dma_start3A_517, %multiple_of3A_514] : memref<32x1000000xf32, #tpu.memory_space<hbm>> -> memref<32x128xf32, #tpu.memory_space<hbm>>
        tpu.enqueue_dma source(%dma_start3A_518 : memref<32x128xf32, #tpu.memory_space<hbm>>) target(%arg9 : memref<32x128xf32, #tpu.memory_space<vmem>>) target_semaphore(%arg26 : memref<!tpu.dma_semaphore, #tpu.memory_space<semaphore_mem>>)
        %shift_right_arithmetic3A_519 = arith.constant 7 : i32
        %shift_right_arithmetic3A_520 = arith.shrsi %squeeze3A_509, %shift_right_arithmetic3A_519 : i32
        %mul3A_521 = arith.constant 128 : i32
        %mul3A_522 = arith.muli %shift_right_arithmetic3A_520, %mul3A_521 : i32
        %multiple_of3A_523 = tpu.assume_multiple %mul3A_522, 128 : i32
        %dma_start3A_524 = arith.constant 0 : i32
        %dma_start3A_525 = tpu.memref_slice %arg5[%dma_start3A_524, %multiple_of3A_523] : memref<32x1000000xf32, #tpu.memory_space<hbm>> -> memref<32x128xf32, #tpu.memory_space<hbm>>
        %dma_start3A_526 = arith.constant 0 : i32
        %dma_start3A_527 = tpu.memref_slice %arg5[%dma_start3A_526, %multiple_of3A_523] : memref<32x1000000xf32, #tpu.memory_space<hbm>> -> memref<32x128xf32, #tpu.memory_space<hbm>>
        tpu.enqueue_dma source(%dma_start3A_527 : memref<32x128xf32, #tpu.memory_space<hbm>>) target(%arg17 : memref<32x128xf32, #tpu.memory_space<vmem>>) target_semaphore(%arg27 : memref<!tpu.dma_semaphore, #tpu.memory_space<semaphore_mem>>)
      } else {
      }
      %add3A_233 = arith.constant 1 : i32
      %add3A_234 = arith.addi %mul3A_192, %add3A_233 : i32
      %dma_wait3A_235 = arith.constant 0 : i32
      %dma_wait3A_236 = arith.constant 0 : i32
      %dma_wait3A_237 = tpu.memref_slice %arg4[%dma_wait3A_235, %dma_wait3A_236] : memref<32x1000000xf32, #tpu.memory_space<hbm>> -> memref<32x128xf32, #tpu.memory_space<hbm>>
      %dma_wait3A_238 = arith.constant 0 : i32
      %dma_wait3A_239 = arith.constant 0 : i32
      %dma_wait3A_240 = tpu.memref_slice %arg4[%dma_wait3A_238, %dma_wait3A_239] : memref<32x1000000xf32, #tpu.memory_space<hbm>> -> memref<32x128xf32, #tpu.memory_space<hbm>>
      tpu.wait_dma2 semaphore(%arg26 : memref<!tpu.dma_semaphore, #tpu.memory_space<semaphore_mem>>) src(%dma_wait3A_240 : memref<32x128xf32, #tpu.memory_space<hbm>>) dst(%arg10 : memref<32x128xf32, #tpu.memory_space<vmem>>)
      %dma_wait3A_241 = arith.constant 0 : i32
      %dma_wait3A_242 = arith.constant 0 : i32
      %dma_wait3A_243 = tpu.memref_slice %arg5[%dma_wait3A_241, %dma_wait3A_242] : memref<32x1000000xf32, #tpu.memory_space<hbm>> -> memref<32x128xf32, #tpu.memory_space<hbm>>
      %dma_wait3A_244 = arith.constant 0 : i32
      %dma_wait3A_245 = arith.constant 0 : i32
      %dma_wait3A_246 = tpu.memref_slice %arg5[%dma_wait3A_244, %dma_wait3A_245] : memref<32x1000000xf32, #tpu.memory_space<hbm>> -> memref<32x128xf32, #tpu.memory_space<hbm>>
      tpu.wait_dma2 semaphore(%arg27 : memref<!tpu.dma_semaphore, #tpu.memory_space<semaphore_mem>>) src(%dma_wait3A_246 : memref<32x128xf32, #tpu.memory_space<hbm>>) dst(%arg18 : memref<32x128xf32, #tpu.memory_space<vmem>>)
      %slice3A_247 = vector.extract_strided_slice %and3A_198 {offsets = [1], sizes = [1], strides = [1]} : vector<16xi32> to vector<1xi32>
      %squeeze3A_248 = vector.extract %slice3A_247[0] : i32 from vector<1xi32>
      %broadcast_in_dim3A_249 = vector.broadcast %squeeze3A_248 : i32 to vector<16xi32>
      %slice3A_250 = vector.extract_strided_slice %and3A_201 {offsets = [1], sizes = [1], strides = [1]} : vector<16xi32> to vector<1xi32>
      %squeeze3A_251 = vector.extract %slice3A_250[0] : i32 from vector<1xi32>
      %broadcast_in_dim3A_252 = vector.broadcast %squeeze3A_251 : i32 to vector<16xi32>
      %gather3A_253 = tpu.vector_load_idx %arg10[%iota3A, %broadcast_in_dim3A_249] : memref<32x128xf32, #tpu.memory_space<vmem>>[vector<16xi32>, vector<16xi32>], vector<16xf32>,
      %gather3A_254 = tpu.vector_load_idx %arg10[%add3A_179, %broadcast_in_dim3A_249] : memref<32x128xf32, #tpu.memory_space<vmem>>[vector<16xi32>, vector<16xi32>], vector<16xf32>,
      %gather3A_255 = tpu.vector_load_idx %arg18[%iota3A, %broadcast_in_dim3A_252] : memref<32x128xf32, #tpu.memory_space<vmem>>[vector<16xi32>, vector<16xi32>], vector<16xf32>,
      %gather3A_256 = tpu.vector_load_idx %arg18[%add3A_179, %broadcast_in_dim3A_252] : memref<32x128xf32, #tpu.memory_space<vmem>>[vector<16xi32>, vector<16xi32>], vector<16xf32>,
      %mul3A_257 = arith.mulf %gather3A_253, %gather3A_255 : vector<16xf32>
      %mul3A_258 = arith.mulf %gather3A_254, %gather3A_256 : vector<16xf32>
      %add3A_259 = arith.addf %mul3A_257, %mul3A_258 : vector<16xf32>
      %broadcast_in_dim3A_260 = arith.constant true
      %broadcast_in_dim3A_261 = vector.broadcast %broadcast_in_dim3A_260 : i1 to vector<16xi1>
      %masked_cumsum3A_262 = tpu.scan <sum>, %add3A_259 masked %broadcast_in_dim3A_261 : vector<16xf32>, vector<16xi1> -> vector<16xf32>
      %swap3A_263 = arith.index_cast %add3A_234 : i32 to index
      %swap3A_264 = tpu.vector_load %arg25[%swap3A_263] masked %eq3A_181 {strides = array<i32>} : memref<528xf32, #tpu.memory_space<vmem>>, vector<16xf32>, vector<16xi1>
      tpu.vector_store %arg25[%swap3A_263], %masked_cumsum3A_262 masked %eq3A_181 {strides = array<i32>} : memref<528xf32, #tpu.memory_space<vmem>>, vector<16xf32>, vector<16xi1>
      %add3A_265 = arith.constant 8 : i32
      %add3A_266 = arith.addi %add3A_234, %add3A_265 : i32
      %lt3A_267 = arith.constant 512 : i32
      %lt3A_268 = arith.cmpi slt, %add3A_266, %lt3A_267 : i32
      %convert_element_type3A_269 = arith.extui %lt3A_268 : i1 to i32
      %cond3A_270 = arith.constant 0 : i32
      %cond3A_271 = arith.cmpi ne, %convert_element_type3A_269, %cond3A_270 : i32
      scf.if %cond3A_271 {
        %slice3A_506 = vector.extract_strided_slice %get3A_194 {offsets = [9], sizes = [1], strides = [1]} : vector<16xi32> to vector<1xi32>
        %squeeze3A_507 = vector.extract %slice3A_506[0] : i32 from vector<1xi32>
        %slice3A_508 = vector.extract_strided_slice %get3A_196 {offsets = [9], sizes = [1], strides = [1]} : vector<16xi32> to vector<1xi32>
        %squeeze3A_509 = vector.extract %slice3A_508[0] : i32 from vector<1xi32>
        %shift_right_arithmetic3A_510 = arith.constant 7 : i32
        %shift_right_arithmetic3A_511 = arith.shrsi %squeeze3A_507, %shift_right_arithmetic3A_510 : i32
        %mul3A_512 = arith.constant 128 : i32
        %mul3A_513 = arith.muli %shift_right_arithmetic3A_511, %mul3A_512 : i32
        %multiple_of3A_514 = tpu.assume_multiple %mul3A_513, 128 : i32
        %dma_start3A_515 = arith.constant 0 : i32
        %dma_start3A_516 = tpu.memref_slice %arg4[%dma_start3A_515, %multiple_of3A_514] : memref<32x1000000xf32, #tpu.memory_space<hbm>> -> memref<32x128xf32, #tpu.memory_space<hbm>>
        %dma_start3A_517 = arith.constant 0 : i32
        %dma_start3A_518 = tpu.memref_slice %arg4[%dma_start3A_517, %multiple_of3A_514] : memref<32x1000000xf32, #tpu.memory_space<hbm>> -> memref<32x128xf32, #tpu.memory_space<hbm>>
        tpu.enqueue_dma source(%dma_start3A_518 : memref<32x128xf32, #tpu.memory_space<hbm>>) target(%arg10 : memref<32x128xf32, #tpu.memory_space<vmem>>) target_semaphore(%arg26 : memref<!tpu.dma_semaphore, #tpu.memory_space<semaphore_mem>>)
        %shift_right_arithmetic3A_519 = arith.constant 7 : i32
        %shift_right_arithmetic3A_520 = arith.shrsi %squeeze3A_509, %shift_right_arithmetic3A_519 : i32
        %mul3A_521 = arith.constant 128 : i32
        %mul3A_522 = arith.muli %shift_right_arithmetic3A_520, %mul3A_521 : i32
        %multiple_of3A_523 = tpu.assume_multiple %mul3A_522, 128 : i32
        %dma_start3A_524 = arith.constant 0 : i32
        %dma_start3A_525 = tpu.memref_slice %arg5[%dma_start3A_524, %multiple_of3A_523] : memref<32x1000000xf32, #tpu.memory_space<hbm>> -> memref<32x128xf32, #tpu.memory_space<hbm>>
        %dma_start3A_526 = arith.constant 0 : i32
        %dma_start3A_527 = tpu.memref_slice %arg5[%dma_start3A_526, %multiple_of3A_523] : memref<32x1000000xf32, #tpu.memory_space<hbm>> -> memref<32x128xf32, #tpu.memory_space<hbm>>
        tpu.enqueue_dma source(%dma_start3A_527 : memref<32x128xf32, #tpu.memory_space<hbm>>) target(%arg18 : memref<32x128xf32, #tpu.memory_space<vmem>>) target_semaphore(%arg27 : memref<!tpu.dma_semaphore, #tpu.memory_space<semaphore_mem>>)
      } else {
      }
      %add3A_272 = arith.constant 2 : i32
      %add3A_273 = arith.addi %mul3A_192, %add3A_272 : i32
      %dma_wait3A_274 = arith.constant 0 : i32
      %dma_wait3A_275 = arith.constant 0 : i32
      %dma_wait3A_276 = tpu.memref_slice %arg4[%dma_wait3A_274, %dma_wait3A_275] : memref<32x1000000xf32, #tpu.memory_space<hbm>> -> memref<32x128xf32, #tpu.memory_space<hbm>>
      %dma_wait3A_277 = arith.constant 0 : i32
      %dma_wait3A_278 = arith.constant 0 : i32
      %dma_wait3A_279 = tpu.memref_slice %arg4[%dma_wait3A_277, %dma_wait3A_278] : memref<32x1000000xf32, #tpu.memory_space<hbm>> -> memref<32x128xf32, #tpu.memory_space<hbm>>
      tpu.wait_dma2 semaphore(%arg26 : memref<!tpu.dma_semaphore, #tpu.memory_space<semaphore_mem>>) src(%dma_wait3A_279 : memref<32x128xf32, #tpu.memory_space<hbm>>) dst(%arg11 : memref<32x128xf32, #tpu.memory_space<vmem>>)
      %dma_wait3A_280 = arith.constant 0 : i32
      %dma_wait3A_281 = arith.constant 0 : i32
      %dma_wait3A_282 = tpu.memref_slice %arg5[%dma_wait3A_280, %dma_wait3A_281] : memref<32x1000000xf32, #tpu.memory_space<hbm>> -> memref<32x128xf32, #tpu.memory_space<hbm>>
      %dma_wait3A_283 = arith.constant 0 : i32
      %dma_wait3A_284 = arith.constant 0 : i32
      %dma_wait3A_285 = tpu.memref_slice %arg5[%dma_wait3A_283, %dma_wait3A_284] : memref<32x1000000xf32, #tpu.memory_space<hbm>> -> memref<32x128xf32, #tpu.memory_space<hbm>>
      tpu.wait_dma2 semaphore(%arg27 : memref<!tpu.dma_semaphore, #tpu.memory_space<semaphore_mem>>) src(%dma_wait3A_285 : memref<32x128xf32, #tpu.memory_space<hbm>>) dst(%arg19 : memref<32x128xf32, #tpu.memory_space<vmem>>)
      %slice3A_286 = vector.extract_strided_slice %and3A_198 {offsets = [2], sizes = [1], strides = [1]} : vector<16xi32> to vector<1xi32>
      %squeeze3A_287 = vector.extract %slice3A_286[0] : i32 from vector<1xi32>
      %broadcast_in_dim3A_288 = vector.broadcast %squeeze3A_287 : i32 to vector<16xi32>
      %slice3A_289 = vector.extract_strided_slice %and3A_201 {offsets = [2], sizes = [1], strides = [1]} : vector<16xi32> to vector<1xi32>
      %squeeze3A_290 = vector.extract %slice3A_289[0] : i32 from vector<1xi32>
      %broadcast_in_dim3A_291 = vector.broadcast %squeeze3A_290 : i32 to vector<16xi32>
      %gather3A_292 = tpu.vector_load_idx %arg11[%iota3A, %broadcast_in_dim3A_288] : memref<32x128xf32, #tpu.memory_space<vmem>>[vector<16xi32>, vector<16xi32>], vector<16xf32>,
      %gather3A_293 = tpu.vector_load_idx %arg11[%add3A_179, %broadcast_in_dim3A_288] : memref<32x128xf32, #tpu.memory_space<vmem>>[vector<16xi32>, vector<16xi32>], vector<16xf32>,
      %gather3A_294 = tpu.vector_load_idx %arg19[%iota3A, %broadcast_in_dim3A_291] : memref<32x128xf32, #tpu.memory_space<vmem>>[vector<16xi32>, vector<16xi32>], vector<16xf32>,
      %gather3A_295 = tpu.vector_load_idx %arg19[%add3A_179, %broadcast_in_dim3A_291] : memref<32x128xf32, #tpu.memory_space<vmem>>[vector<16xi32>, vector<16xi32>], vector<16xf32>,
      %mul3A_296 = arith.mulf %gather3A_292, %gather3A_294 : vector<16xf32>
      %mul3A_297 = arith.mulf %gather3A_293, %gather3A_295 : vector<16xf32>
      %add3A_298 = arith.addf %mul3A_296, %mul3A_297 : vector<16xf32>
      %broadcast_in_dim3A_299 = arith.constant true
      %broadcast_in_dim3A_300 = vector.broadcast %broadcast_in_dim3A_299 : i1 to vector<16xi1>
      %masked_cumsum3A_301 = tpu.scan <sum>, %add3A_298 masked %broadcast_in_dim3A_300 : vector<16xf32>, vector<16xi1> -> vector<16xf32>
      %swap3A_302 = arith.index_cast %add3A_273 : i32 to index
      %swap3A_303 = tpu.vector_load %arg25[%swap3A_302] masked %eq3A_181 {strides = array<i32>} : memref<528xf32, #tpu.memory_space<vmem>>, vector<16xf32>, vector<16xi1>
      tpu.vector_store %arg25[%swap3A_302], %masked_cumsum3A_301 masked %eq3A_181 {strides = array<i32>} : memref<528xf32, #tpu.memory_space<vmem>>, vector<16xf32>, vector<16xi1>
      %add3A_304 = arith.constant 8 : i32
      %add3A_305 = arith.addi %add3A_273, %add3A_304 : i32
      %lt3A_306 = arith.constant 512 : i32
      %lt3A_307 = arith.cmpi slt, %add3A_305, %lt3A_306 : i32
      %convert_element_type3A_308 = arith.extui %lt3A_307 : i1 to i32
      %cond3A_309 = arith.constant 0 : i32
      %cond3A_310 = arith.cmpi ne, %convert_element_type3A_308, %cond3A_309 : i32
      scf.if %cond3A_310 {
        %slice3A_506 = vector.extract_strided_slice %get3A_194 {offsets = [10], sizes = [1], strides = [1]} : vector<16xi32> to vector<1xi32>
        %squeeze3A_507 = vector.extract %slice3A_506[0] : i32 from vector<1xi32>
        %slice3A_508 = vector.extract_strided_slice %get3A_196 {offsets = [10], sizes = [1], strides = [1]} : vector<16xi32> to vector<1xi32>
        %squeeze3A_509 = vector.extract %slice3A_508[0] : i32 from vector<1xi32>
        %shift_right_arithmetic3A_510 = arith.constant 7 : i32
        %shift_right_arithmetic3A_511 = arith.shrsi %squeeze3A_507, %shift_right_arithmetic3A_510 : i32
        %mul3A_512 = arith.constant 128 : i32
        %mul3A_513 = arith.muli %shift_right_arithmetic3A_511, %mul3A_512 : i32
        %multiple_of3A_514 = tpu.assume_multiple %mul3A_513, 128 : i32
        %dma_start3A_515 = arith.constant 0 : i32
        %dma_start3A_516 = tpu.memref_slice %arg4[%dma_start3A_515, %multiple_of3A_514] : memref<32x1000000xf32, #tpu.memory_space<hbm>> -> memref<32x128xf32, #tpu.memory_space<hbm>>
        %dma_start3A_517 = arith.constant 0 : i32
        %dma_start3A_518 = tpu.memref_slice %arg4[%dma_start3A_517, %multiple_of3A_514] : memref<32x1000000xf32, #tpu.memory_space<hbm>> -> memref<32x128xf32, #tpu.memory_space<hbm>>
        tpu.enqueue_dma source(%dma_start3A_518 : memref<32x128xf32, #tpu.memory_space<hbm>>) target(%arg11 : memref<32x128xf32, #tpu.memory_space<vmem>>) target_semaphore(%arg26 : memref<!tpu.dma_semaphore, #tpu.memory_space<semaphore_mem>>)
        %shift_right_arithmetic3A_519 = arith.constant 7 : i32
        %shift_right_arithmetic3A_520 = arith.shrsi %squeeze3A_509, %shift_right_arithmetic3A_519 : i32
        %mul3A_521 = arith.constant 128 : i32
        %mul3A_522 = arith.muli %shift_right_arithmetic3A_520, %mul3A_521 : i32
        %multiple_of3A_523 = tpu.assume_multiple %mul3A_522, 128 : i32
        %dma_start3A_524 = arith.constant 0 : i32
        %dma_start3A_525 = tpu.memref_slice %arg5[%dma_start3A_524, %multiple_of3A_523] : memref<32x1000000xf32, #tpu.memory_space<hbm>> -> memref<32x128xf32, #tpu.memory_space<hbm>>
        %dma_start3A_526 = arith.constant 0 : i32
        %dma_start3A_527 = tpu.memref_slice %arg5[%dma_start3A_526, %multiple_of3A_523] : memref<32x1000000xf32, #tpu.memory_space<hbm>> -> memref<32x128xf32, #tpu.memory_space<hbm>>
        tpu.enqueue_dma source(%dma_start3A_527 : memref<32x128xf32, #tpu.memory_space<hbm>>) target(%arg19 : memref<32x128xf32, #tpu.memory_space<vmem>>) target_semaphore(%arg27 : memref<!tpu.dma_semaphore, #tpu.memory_space<semaphore_mem>>)
      } else {
      }
      %add3A_311 = arith.constant 3 : i32
      %add3A_312 = arith.addi %mul3A_192, %add3A_311 : i32
      %dma_wait3A_313 = arith.constant 0 : i32
      %dma_wait3A_314 = arith.constant 0 : i32
      %dma_wait3A_315 = tpu.memref_slice %arg4[%dma_wait3A_313, %dma_wait3A_314] : memref<32x1000000xf32, #tpu.memory_space<hbm>> -> memref<32x128xf32, #tpu.memory_space<hbm>>
      %dma_wait3A_316 = arith.constant 0 : i32
      %dma_wait3A_317 = arith.constant 0 : i32
      %dma_wait3A_318 = tpu.memref_slice %arg4[%dma_wait3A_316, %dma_wait3A_317] : memref<32x1000000xf32, #tpu.memory_space<hbm>> -> memref<32x128xf32, #tpu.memory_space<hbm>>
      tpu.wait_dma2 semaphore(%arg26 : memref<!tpu.dma_semaphore, #tpu.memory_space<semaphore_mem>>) src(%dma_wait3A_318 : memref<32x128xf32, #tpu.memory_space<hbm>>) dst(%arg12 : memref<32x128xf32, #tpu.memory_space<vmem>>)
      %dma_wait3A_319 = arith.constant 0 : i32
      %dma_wait3A_320 = arith.constant 0 : i32
      %dma_wait3A_321 = tpu.memref_slice %arg5[%dma_wait3A_319, %dma_wait3A_320] : memref<32x1000000xf32, #tpu.memory_space<hbm>> -> memref<32x128xf32, #tpu.memory_space<hbm>>
      %dma_wait3A_322 = arith.constant 0 : i32
      %dma_wait3A_323 = arith.constant 0 : i32
      %dma_wait3A_324 = tpu.memref_slice %arg5[%dma_wait3A_322, %dma_wait3A_323] : memref<32x1000000xf32, #tpu.memory_space<hbm>> -> memref<32x128xf32, #tpu.memory_space<hbm>>
      tpu.wait_dma2 semaphore(%arg27 : memref<!tpu.dma_semaphore, #tpu.memory_space<semaphore_mem>>) src(%dma_wait3A_324 : memref<32x128xf32, #tpu.memory_space<hbm>>) dst(%arg20 : memref<32x128xf32, #tpu.memory_space<vmem>>)
      %slice3A_325 = vector.extract_strided_slice %and3A_198 {offsets = [3], sizes = [1], strides = [1]} : vector<16xi32> to vector<1xi32>
      %squeeze3A_326 = vector.extract %slice3A_325[0] : i32 from vector<1xi32>
      %broadcast_in_dim3A_327 = vector.broadcast %squeeze3A_326 : i32 to vector<16xi32>
      %slice3A_328 = vector.extract_strided_slice %and3A_201 {offsets = [3], sizes = [1], strides = [1]} : vector<16xi32> to vector<1xi32>
      %squeeze3A_329 = vector.extract %slice3A_328[0] : i32 from vector<1xi32>
      %broadcast_in_dim3A_330 = vector.broadcast %squeeze3A_329 : i32 to vector<16xi32>
      %gather3A_331 = tpu.vector_load_idx %arg12[%iota3A, %broadcast_in_dim3A_327] : memref<32x128xf32, #tpu.memory_space<vmem>>[vector<16xi32>, vector<16xi32>], vector<16xf32>,
      %gather3A_332 = tpu.vector_load_idx %arg12[%add3A_179, %broadcast_in_dim3A_327] : memref<32x128xf32, #tpu.memory_space<vmem>>[vector<16xi32>, vector<16xi32>], vector<16xf32>,
      %gather3A_333 = tpu.vector_load_idx %arg20[%iota3A, %broadcast_in_dim3A_330] : memref<32x128xf32, #tpu.memory_space<vmem>>[vector<16xi32>, vector<16xi32>], vector<16xf32>,
      %gather3A_334 = tpu.vector_load_idx %arg20[%add3A_179, %broadcast_in_dim3A_330] : memref<32x128xf32, #tpu.memory_space<vmem>>[vector<16xi32>, vector<16xi32>], vector<16xf32>,
      %mul3A_335 = arith.mulf %gather3A_331, %gather3A_333 : vector<16xf32>
      %mul3A_336 = arith.mulf %gather3A_332, %gather3A_334 : vector<16xf32>
      %add3A_337 = arith.addf %mul3A_335, %mul3A_336 : vector<16xf32>
      %broadcast_in_dim3A_338 = arith.constant true
      %broadcast_in_dim3A_339 = vector.broadcast %broadcast_in_dim3A_338 : i1 to vector<16xi1>
      %masked_cumsum3A_340 = tpu.scan <sum>, %add3A_337 masked %broadcast_in_dim3A_339 : vector<16xf32>, vector<16xi1> -> vector<16xf32>
      %swap3A_341 = arith.index_cast %add3A_312 : i32 to index
      %swap3A_342 = tpu.vector_load %arg25[%swap3A_341] masked %eq3A_181 {strides = array<i32>} : memref<528xf32, #tpu.memory_space<vmem>>, vector<16xf32>, vector<16xi1>
      tpu.vector_store %arg25[%swap3A_341], %masked_cumsum3A_340 masked %eq3A_181 {strides = array<i32>} : memref<528xf32, #tpu.memory_space<vmem>>, vector<16xf32>, vector<16xi1>
      %add3A_343 = arith.constant 8 : i32
      %add3A_344 = arith.addi %add3A_312, %add3A_343 : i32
      %lt3A_345 = arith.constant 512 : i32
      %lt3A_346 = arith.cmpi slt, %add3A_344, %lt3A_345 : i32
      %convert_element_type3A_347 = arith.extui %lt3A_346 : i1 to i32
      %cond3A_348 = arith.constant 0 : i32
      %cond3A_349 = arith.cmpi ne, %convert_element_type3A_347, %cond3A_348 : i32
      scf.if %cond3A_349 {
        %slice3A_506 = vector.extract_strided_slice %get3A_194 {offsets = [11], sizes = [1], strides = [1]} : vector<16xi32> to vector<1xi32>
        %squeeze3A_507 = vector.extract %slice3A_506[0] : i32 from vector<1xi32>
        %slice3A_508 = vector.extract_strided_slice %get3A_196 {offsets = [11], sizes = [1], strides = [1]} : vector<16xi32> to vector<1xi32>
        %squeeze3A_509 = vector.extract %slice3A_508[0] : i32 from vector<1xi32>
        %shift_right_arithmetic3A_510 = arith.constant 7 : i32
        %shift_right_arithmetic3A_511 = arith.shrsi %squeeze3A_507, %shift_right_arithmetic3A_510 : i32
        %mul3A_512 = arith.constant 128 : i32
        %mul3A_513 = arith.muli %shift_right_arithmetic3A_511, %mul3A_512 : i32
        %multiple_of3A_514 = tpu.assume_multiple %mul3A_513, 128 : i32
        %dma_start3A_515 = arith.constant 0 : i32
        %dma_start3A_516 = tpu.memref_slice %arg4[%dma_start3A_515, %multiple_of3A_514] : memref<32x1000000xf32, #tpu.memory_space<hbm>> -> memref<32x128xf32, #tpu.memory_space<hbm>>
        %dma_start3A_517 = arith.constant 0 : i32
        %dma_start3A_518 = tpu.memref_slice %arg4[%dma_start3A_517, %multiple_of3A_514] : memref<32x1000000xf32, #tpu.memory_space<hbm>> -> memref<32x128xf32, #tpu.memory_space<hbm>>
        tpu.enqueue_dma source(%dma_start3A_518 : memref<32x128xf32, #tpu.memory_space<hbm>>) target(%arg12 : memref<32x128xf32, #tpu.memory_space<vmem>>) target_semaphore(%arg26 : memref<!tpu.dma_semaphore, #tpu.memory_space<semaphore_mem>>)
        %shift_right_arithmetic3A_519 = arith.constant 7 : i32
        %shift_right_arithmetic3A_520 = arith.shrsi %squeeze3A_509, %shift_right_arithmetic3A_519 : i32
        %mul3A_521 = arith.constant 128 : i32
        %mul3A_522 = arith.muli %shift_right_arithmetic3A_520, %mul3A_521 : i32
        %multiple_of3A_523 = tpu.assume_multiple %mul3A_522, 128 : i32
        %dma_start3A_524 = arith.constant 0 : i32
        %dma_start3A_525 = tpu.memref_slice %arg5[%dma_start3A_524, %multiple_of3A_523] : memref<32x1000000xf32, #tpu.memory_space<hbm>> -> memref<32x128xf32, #tpu.memory_space<hbm>>
        %dma_start3A_526 = arith.constant 0 : i32
        %dma_start3A_527 = tpu.memref_slice %arg5[%dma_start3A_526, %multiple_of3A_523] : memref<32x1000000xf32, #tpu.memory_space<hbm>> -> memref<32x128xf32, #tpu.memory_space<hbm>>
        tpu.enqueue_dma source(%dma_start3A_527 : memref<32x128xf32, #tpu.memory_space<hbm>>) target(%arg20 : memref<32x128xf32, #tpu.memory_space<vmem>>) target_semaphore(%arg27 : memref<!tpu.dma_semaphore, #tpu.memory_space<semaphore_mem>>)
      } else {
      }
      %add3A_350 = arith.constant 4 : i32
      %add3A_351 = arith.addi %mul3A_192, %add3A_350 : i32
      %dma_wait3A_352 = arith.constant 0 : i32
      %dma_wait3A_353 = arith.constant 0 : i32
      %dma_wait3A_354 = tpu.memref_slice %arg4[%dma_wait3A_352, %dma_wait3A_353] : memref<32x1000000xf32, #tpu.memory_space<hbm>> -> memref<32x128xf32, #tpu.memory_space<hbm>>
      %dma_wait3A_355 = arith.constant 0 : i32
      %dma_wait3A_356 = arith.constant 0 : i32
      %dma_wait3A_357 = tpu.memref_slice %arg4[%dma_wait3A_355, %dma_wait3A_356] : memref<32x1000000xf32, #tpu.memory_space<hbm>> -> memref<32x128xf32, #tpu.memory_space<hbm>>
      tpu.wait_dma2 semaphore(%arg26 : memref<!tpu.dma_semaphore, #tpu.memory_space<semaphore_mem>>) src(%dma_wait3A_357 : memref<32x128xf32, #tpu.memory_space<hbm>>) dst(%arg13 : memref<32x128xf32, #tpu.memory_space<vmem>>)
      %dma_wait3A_358 = arith.constant 0 : i32
      %dma_wait3A_359 = arith.constant 0 : i32
      %dma_wait3A_360 = tpu.memref_slice %arg5[%dma_wait3A_358, %dma_wait3A_359] : memref<32x1000000xf32, #tpu.memory_space<hbm>> -> memref<32x128xf32, #tpu.memory_space<hbm>>
      %dma_wait3A_361 = arith.constant 0 : i32
      %dma_wait3A_362 = arith.constant 0 : i32
      %dma_wait3A_363 = tpu.memref_slice %arg5[%dma_wait3A_361, %dma_wait3A_362] : memref<32x1000000xf32, #tpu.memory_space<hbm>> -> memref<32x128xf32, #tpu.memory_space<hbm>>
      tpu.wait_dma2 semaphore(%arg27 : memref<!tpu.dma_semaphore, #tpu.memory_space<semaphore_mem>>) src(%dma_wait3A_363 : memref<32x128xf32, #tpu.memory_space<hbm>>) dst(%arg21 : memref<32x128xf32, #tpu.memory_space<vmem>>)
      %slice3A_364 = vector.extract_strided_slice %and3A_198 {offsets = [4], sizes = [1], strides = [1]} : vector<16xi32> to vector<1xi32>
      %squeeze3A_365 = vector.extract %slice3A_364[0] : i32 from vector<1xi32>
      %broadcast_in_dim3A_366 = vector.broadcast %squeeze3A_365 : i32 to vector<16xi32>
      %slice3A_367 = vector.extract_strided_slice %and3A_201 {offsets = [4], sizes = [1], strides = [1]} : vector<16xi32> to vector<1xi32>
      %squeeze3A_368 = vector.extract %slice3A_367[0] : i32 from vector<1xi32>
      %broadcast_in_dim3A_369 = vector.broadcast %squeeze3A_368 : i32 to vector<16xi32>
      %gather3A_370 = tpu.vector_load_idx %arg13[%iota3A, %broadcast_in_dim3A_366] : memref<32x128xf32, #tpu.memory_space<vmem>>[vector<16xi32>, vector<16xi32>], vector<16xf32>,
      %gather3A_371 = tpu.vector_load_idx %arg13[%add3A_179, %broadcast_in_dim3A_366] : memref<32x128xf32, #tpu.memory_space<vmem>>[vector<16xi32>, vector<16xi32>], vector<16xf32>,
      %gather3A_372 = tpu.vector_load_idx %arg21[%iota3A, %broadcast_in_dim3A_369] : memref<32x128xf32, #tpu.memory_space<vmem>>[vector<16xi32>, vector<16xi32>], vector<16xf32>,
      %gather3A_373 = tpu.vector_load_idx %arg21[%add3A_179, %broadcast_in_dim3A_369] : memref<32x128xf32, #tpu.memory_space<vmem>>[vector<16xi32>, vector<16xi32>], vector<16xf32>,
      %mul3A_374 = arith.mulf %gather3A_370, %gather3A_372 : vector<16xf32>
      %mul3A_375 = arith.mulf %gather3A_371, %gather3A_373 : vector<16xf32>
      %add3A_376 = arith.addf %mul3A_374, %mul3A_375 : vector<16xf32>
      %broadcast_in_dim3A_377 = arith.constant true
      %broadcast_in_dim3A_378 = vector.broadcast %broadcast_in_dim3A_377 : i1 to vector<16xi1>
      %masked_cumsum3A_379 = tpu.scan <sum>, %add3A_376 masked %broadcast_in_dim3A_378 : vector<16xf32>, vector<16xi1> -> vector<16xf32>
      %swap3A_380 = arith.index_cast %add3A_351 : i32 to index
      %swap3A_381 = tpu.vector_load %arg25[%swap3A_380] masked %eq3A_181 {strides = array<i32>} : memref<528xf32, #tpu.memory_space<vmem>>, vector<16xf32>, vector<16xi1>
      tpu.vector_store %arg25[%swap3A_380], %masked_cumsum3A_379 masked %eq3A_181 {strides = array<i32>} : memref<528xf32, #tpu.memory_space<vmem>>, vector<16xf32>, vector<16xi1>
      %add3A_382 = arith.constant 8 : i32
      %add3A_383 = arith.addi %add3A_351, %add3A_382 : i32
      %lt3A_384 = arith.constant 512 : i32
      %lt3A_385 = arith.cmpi slt, %add3A_383, %lt3A_384 : i32
      %convert_element_type3A_386 = arith.extui %lt3A_385 : i1 to i32
      %cond3A_387 = arith.constant 0 : i32
      %cond3A_388 = arith.cmpi ne, %convert_element_type3A_386, %cond3A_387 : i32
      scf.if %cond3A_388 {
        %slice3A_506 = vector.extract_strided_slice %get3A_194 {offsets = [12], sizes = [1], strides = [1]} : vector<16xi32> to vector<1xi32>
        %squeeze3A_507 = vector.extract %slice3A_506[0] : i32 from vector<1xi32>
        %slice3A_508 = vector.extract_strided_slice %get3A_196 {offsets = [12], sizes = [1], strides = [1]} : vector<16xi32> to vector<1xi32>
        %squeeze3A_509 = vector.extract %slice3A_508[0] : i32 from vector<1xi32>
        %shift_right_arithmetic3A_510 = arith.constant 7 : i32
        %shift_right_arithmetic3A_511 = arith.shrsi %squeeze3A_507, %shift_right_arithmetic3A_510 : i32
        %mul3A_512 = arith.constant 128 : i32
        %mul3A_513 = arith.muli %shift_right_arithmetic3A_511, %mul3A_512 : i32
        %multiple_of3A_514 = tpu.assume_multiple %mul3A_513, 128 : i32
        %dma_start3A_515 = arith.constant 0 : i32
        %dma_start3A_516 = tpu.memref_slice %arg4[%dma_start3A_515, %multiple_of3A_514] : memref<32x1000000xf32, #tpu.memory_space<hbm>> -> memref<32x128xf32, #tpu.memory_space<hbm>>
        %dma_start3A_517 = arith.constant 0 : i32
        %dma_start3A_518 = tpu.memref_slice %arg4[%dma_start3A_517, %multiple_of3A_514] : memref<32x1000000xf32, #tpu.memory_space<hbm>> -> memref<32x128xf32, #tpu.memory_space<hbm>>
        tpu.enqueue_dma source(%dma_start3A_518 : memref<32x128xf32, #tpu.memory_space<hbm>>) target(%arg13 : memref<32x128xf32, #tpu.memory_space<vmem>>) target_semaphore(%arg26 : memref<!tpu.dma_semaphore, #tpu.memory_space<semaphore_mem>>)
        %shift_right_arithmetic3A_519 = arith.constant 7 : i32
        %shift_right_arithmetic3A_520 = arith.shrsi %squeeze3A_509, %shift_right_arithmetic3A_519 : i32
        %mul3A_521 = arith.constant 128 : i32
        %mul3A_522 = arith.muli %shift_right_arithmetic3A_520, %mul3A_521 : i32
        %multiple_of3A_523 = tpu.assume_multiple %mul3A_522, 128 : i32
        %dma_start3A_524 = arith.constant 0 : i32
        %dma_start3A_525 = tpu.memref_slice %arg5[%dma_start3A_524, %multiple_of3A_523] : memref<32x1000000xf32, #tpu.memory_space<hbm>> -> memref<32x128xf32, #tpu.memory_space<hbm>>
        %dma_start3A_526 = arith.constant 0 : i32
        %dma_start3A_527 = tpu.memref_slice %arg5[%dma_start3A_526, %multiple_of3A_523] : memref<32x1000000xf32, #tpu.memory_space<hbm>> -> memref<32x128xf32, #tpu.memory_space<hbm>>
        tpu.enqueue_dma source(%dma_start3A_527 : memref<32x128xf32, #tpu.memory_space<hbm>>) target(%arg21 : memref<32x128xf32, #tpu.memory_space<vmem>>) target_semaphore(%arg27 : memref<!tpu.dma_semaphore, #tpu.memory_space<semaphore_mem>>)
      } else {
      }
      %add3A_389 = arith.constant 5 : i32
      %add3A_390 = arith.addi %mul3A_192, %add3A_389 : i32
      %dma_wait3A_391 = arith.constant 0 : i32
      %dma_wait3A_392 = arith.constant 0 : i32
      %dma_wait3A_393 = tpu.memref_slice %arg4[%dma_wait3A_391, %dma_wait3A_392] : memref<32x1000000xf32, #tpu.memory_space<hbm>> -> memref<32x128xf32, #tpu.memory_space<hbm>>
      %dma_wait3A_394 = arith.constant 0 : i32
      %dma_wait3A_395 = arith.constant 0 : i32
      %dma_wait3A_396 = tpu.memref_slice %arg4[%dma_wait3A_394, %dma_wait3A_395] : memref<32x1000000xf32, #tpu.memory_space<hbm>> -> memref<32x128xf32, #tpu.memory_space<hbm>>
      tpu.wait_dma2 semaphore(%arg26 : memref<!tpu.dma_semaphore, #tpu.memory_space<semaphore_mem>>) src(%dma_wait3A_396 : memref<32x128xf32, #tpu.memory_space<hbm>>) dst(%arg14 : memref<32x128xf32, #tpu.memory_space<vmem>>)
      %dma_wait3A_397 = arith.constant 0 : i32
      %dma_wait3A_398 = arith.constant 0 : i32
      %dma_wait3A_399 = tpu.memref_slice %arg5[%dma_wait3A_397, %dma_wait3A_398] : memref<32x1000000xf32, #tpu.memory_space<hbm>> -> memref<32x128xf32, #tpu.memory_space<hbm>>
      %dma_wait3A_400 = arith.constant 0 : i32
      %dma_wait3A_401 = arith.constant 0 : i32
      %dma_wait3A_402 = tpu.memref_slice %arg5[%dma_wait3A_400, %dma_wait3A_401] : memref<32x1000000xf32, #tpu.memory_space<hbm>> -> memref<32x128xf32, #tpu.memory_space<hbm>>
      tpu.wait_dma2 semaphore(%arg27 : memref<!tpu.dma_semaphore, #tpu.memory_space<semaphore_mem>>) src(%dma_wait3A_402 : memref<32x128xf32, #tpu.memory_space<hbm>>) dst(%arg22 : memref<32x128xf32, #tpu.memory_space<vmem>>)
      %slice3A_403 = vector.extract_strided_slice %and3A_198 {offsets = [5], sizes = [1], strides = [1]} : vector<16xi32> to vector<1xi32>
      %squeeze3A_404 = vector.extract %slice3A_403[0] : i32 from vector<1xi32>
      %broadcast_in_dim3A_405 = vector.broadcast %squeeze3A_404 : i32 to vector<16xi32>
      %slice3A_406 = vector.extract_strided_slice %and3A_201 {offsets = [5], sizes = [1], strides = [1]} : vector<16xi32> to vector<1xi32>
      %squeeze3A_407 = vector.extract %slice3A_406[0] : i32 from vector<1xi32>
      %broadcast_in_dim3A_408 = vector.broadcast %squeeze3A_407 : i32 to vector<16xi32>
      %gather3A_409 = tpu.vector_load_idx %arg14[%iota3A, %broadcast_in_dim3A_405] : memref<32x128xf32, #tpu.memory_space<vmem>>[vector<16xi32>, vector<16xi32>], vector<16xf32>,
      %gather3A_410 = tpu.vector_load_idx %arg14[%add3A_179, %broadcast_in_dim3A_405] : memref<32x128xf32, #tpu.memory_space<vmem>>[vector<16xi32>, vector<16xi32>], vector<16xf32>,
      %gather3A_411 = tpu.vector_load_idx %arg22[%iota3A, %broadcast_in_dim3A_408] : memref<32x128xf32, #tpu.memory_space<vmem>>[vector<16xi32>, vector<16xi32>], vector<16xf32>,
      %gather3A_412 = tpu.vector_load_idx %arg22[%add3A_179, %broadcast_in_dim3A_408] : memref<32x128xf32, #tpu.memory_space<vmem>>[vector<16xi32>, vector<16xi32>], vector<16xf32>,
      %mul3A_413 = arith.mulf %gather3A_409, %gather3A_411 : vector<16xf32>
      %mul3A_414 = arith.mulf %gather3A_410, %gather3A_412 : vector<16xf32>
      %add3A_415 = arith.addf %mul3A_413, %mul3A_414 : vector<16xf32>
      %broadcast_in_dim3A_416 = arith.constant true
      %broadcast_in_dim3A_417 = vector.broadcast %broadcast_in_dim3A_416 : i1 to vector<16xi1>
      %masked_cumsum3A_418 = tpu.scan <sum>, %add3A_415 masked %broadcast_in_dim3A_417 : vector<16xf32>, vector<16xi1> -> vector<16xf32>
      %swap3A_419 = arith.index_cast %add3A_390 : i32 to index
      %swap3A_420 = tpu.vector_load %arg25[%swap3A_419] masked %eq3A_181 {strides = array<i32>} : memref<528xf32, #tpu.memory_space<vmem>>, vector<16xf32>, vector<16xi1>
      tpu.vector_store %arg25[%swap3A_419], %masked_cumsum3A_418 masked %eq3A_181 {strides = array<i32>} : memref<528xf32, #tpu.memory_space<vmem>>, vector<16xf32>, vector<16xi1>
      %add3A_421 = arith.constant 8 : i32
      %add3A_422 = arith.addi %add3A_390, %add3A_421 : i32
      %lt3A_423 = arith.constant 512 : i32
      %lt3A_424 = arith.cmpi slt, %add3A_422, %lt3A_423 : i32
      %convert_element_type3A_425 = arith.extui %lt3A_424 : i1 to i32
      %cond3A_426 = arith.constant 0 : i32
      %cond3A_427 = arith.cmpi ne, %convert_element_type3A_425, %cond3A_426 : i32
      scf.if %cond3A_427 {
        %slice3A_506 = vector.extract_strided_slice %get3A_194 {offsets = [13], sizes = [1], strides = [1]} : vector<16xi32> to vector<1xi32>
        %squeeze3A_507 = vector.extract %slice3A_506[0] : i32 from vector<1xi32>
        %slice3A_508 = vector.extract_strided_slice %get3A_196 {offsets = [13], sizes = [1], strides = [1]} : vector<16xi32> to vector<1xi32>
        %squeeze3A_509 = vector.extract %slice3A_508[0] : i32 from vector<1xi32>
        %shift_right_arithmetic3A_510 = arith.constant 7 : i32
        %shift_right_arithmetic3A_511 = arith.shrsi %squeeze3A_507, %shift_right_arithmetic3A_510 : i32
        %mul3A_512 = arith.constant 128 : i32
        %mul3A_513 = arith.muli %shift_right_arithmetic3A_511, %mul3A_512 : i32
        %multiple_of3A_514 = tpu.assume_multiple %mul3A_513, 128 : i32
        %dma_start3A_515 = arith.constant 0 : i32
        %dma_start3A_516 = tpu.memref_slice %arg4[%dma_start3A_515, %multiple_of3A_514] : memref<32x1000000xf32, #tpu.memory_space<hbm>> -> memref<32x128xf32, #tpu.memory_space<hbm>>
        %dma_start3A_517 = arith.constant 0 : i32
        %dma_start3A_518 = tpu.memref_slice %arg4[%dma_start3A_517, %multiple_of3A_514] : memref<32x1000000xf32, #tpu.memory_space<hbm>> -> memref<32x128xf32, #tpu.memory_space<hbm>>
        tpu.enqueue_dma source(%dma_start3A_518 : memref<32x128xf32, #tpu.memory_space<hbm>>) target(%arg14 : memref<32x128xf32, #tpu.memory_space<vmem>>) target_semaphore(%arg26 : memref<!tpu.dma_semaphore, #tpu.memory_space<semaphore_mem>>)
        %shift_right_arithmetic3A_519 = arith.constant 7 : i32
        %shift_right_arithmetic3A_520 = arith.shrsi %squeeze3A_509, %shift_right_arithmetic3A_519 : i32
        %mul3A_521 = arith.constant 128 : i32
        %mul3A_522 = arith.muli %shift_right_arithmetic3A_520, %mul3A_521 : i32
        %multiple_of3A_523 = tpu.assume_multiple %mul3A_522, 128 : i32
        %dma_start3A_524 = arith.constant 0 : i32
        %dma_start3A_525 = tpu.memref_slice %arg5[%dma_start3A_524, %multiple_of3A_523] : memref<32x1000000xf32, #tpu.memory_space<hbm>> -> memref<32x128xf32, #tpu.memory_space<hbm>>
        %dma_start3A_526 = arith.constant 0 : i32
        %dma_start3A_527 = tpu.memref_slice %arg5[%dma_start3A_526, %multiple_of3A_523] : memref<32x1000000xf32, #tpu.memory_space<hbm>> -> memref<32x128xf32, #tpu.memory_space<hbm>>
        tpu.enqueue_dma source(%dma_start3A_527 : memref<32x128xf32, #tpu.memory_space<hbm>>) target(%arg22 : memref<32x128xf32, #tpu.memory_space<vmem>>) target_semaphore(%arg27 : memref<!tpu.dma_semaphore, #tpu.memory_space<semaphore_mem>>)
      } else {
      }
      %add3A_428 = arith.constant 6 : i32
      %add3A_429 = arith.addi %mul3A_192, %add3A_428 : i32
      %dma_wait3A_430 = arith.constant 0 : i32
      %dma_wait3A_431 = arith.constant 0 : i32
      %dma_wait3A_432 = tpu.memref_slice %arg4[%dma_wait3A_430, %dma_wait3A_431] : memref<32x1000000xf32, #tpu.memory_space<hbm>> -> memref<32x128xf32, #tpu.memory_space<hbm>>
      %dma_wait3A_433 = arith.constant 0 : i32
      %dma_wait3A_434 = arith.constant 0 : i32
      %dma_wait3A_435 = tpu.memref_slice %arg4[%dma_wait3A_433, %dma_wait3A_434] : memref<32x1000000xf32, #tpu.memory_space<hbm>> -> memref<32x128xf32, #tpu.memory_space<hbm>>
      tpu.wait_dma2 semaphore(%arg26 : memref<!tpu.dma_semaphore, #tpu.memory_space<semaphore_mem>>) src(%dma_wait3A_435 : memref<32x128xf32, #tpu.memory_space<hbm>>) dst(%arg15 : memref<32x128xf32, #tpu.memory_space<vmem>>)
      %dma_wait3A_436 = arith.constant 0 : i32
      %dma_wait3A_437 = arith.constant 0 : i32
      %dma_wait3A_438 = tpu.memref_slice %arg5[%dma_wait3A_436, %dma_wait3A_437] : memref<32x1000000xf32, #tpu.memory_space<hbm>> -> memref<32x128xf32, #tpu.memory_space<hbm>>
      %dma_wait3A_439 = arith.constant 0 : i32
      %dma_wait3A_440 = arith.constant 0 : i32
      %dma_wait3A_441 = tpu.memref_slice %arg5[%dma_wait3A_439, %dma_wait3A_440] : memref<32x1000000xf32, #tpu.memory_space<hbm>> -> memref<32x128xf32, #tpu.memory_space<hbm>>
      tpu.wait_dma2 semaphore(%arg27 : memref<!tpu.dma_semaphore, #tpu.memory_space<semaphore_mem>>) src(%dma_wait3A_441 : memref<32x128xf32, #tpu.memory_space<hbm>>) dst(%arg23 : memref<32x128xf32, #tpu.memory_space<vmem>>)
      %slice3A_442 = vector.extract_strided_slice %and3A_198 {offsets = [6], sizes = [1], strides = [1]} : vector<16xi32> to vector<1xi32>
      %squeeze3A_443 = vector.extract %slice3A_442[0] : i32 from vector<1xi32>
      %broadcast_in_dim3A_444 = vector.broadcast %squeeze3A_443 : i32 to vector<16xi32>
      %slice3A_445 = vector.extract_strided_slice %and3A_201 {offsets = [6], sizes = [1], strides = [1]} : vector<16xi32> to vector<1xi32>
      %squeeze3A_446 = vector.extract %slice3A_445[0] : i32 from vector<1xi32>
      %broadcast_in_dim3A_447 = vector.broadcast %squeeze3A_446 : i32 to vector<16xi32>
      %gather3A_448 = tpu.vector_load_idx %arg15[%iota3A, %broadcast_in_dim3A_444] : memref<32x128xf32, #tpu.memory_space<vmem>>[vector<16xi32>, vector<16xi32>], vector<16xf32>,
      %gather3A_449 = tpu.vector_load_idx %arg15[%add3A_179, %broadcast_in_dim3A_444] : memref<32x128xf32, #tpu.memory_space<vmem>>[vector<16xi32>, vector<16xi32>], vector<16xf32>,
      %gather3A_450 = tpu.vector_load_idx %arg23[%iota3A, %broadcast_in_dim3A_447] : memref<32x128xf32, #tpu.memory_space<vmem>>[vector<16xi32>, vector<16xi32>], vector<16xf32>,
      %gather3A_451 = tpu.vector_load_idx %arg23[%add3A_179, %broadcast_in_dim3A_447] : memref<32x128xf32, #tpu.memory_space<vmem>>[vector<16xi32>, vector<16xi32>], vector<16xf32>,
      %mul3A_452 = arith.mulf %gather3A_448, %gather3A_450 : vector<16xf32>
      %mul3A_453 = arith.mulf %gather3A_449, %gather3A_451 : vector<16xf32>
      %add3A_454 = arith.addf %mul3A_452, %mul3A_453 : vector<16xf32>
      %broadcast_in_dim3A_455 = arith.constant true
      %broadcast_in_dim3A_456 = vector.broadcast %broadcast_in_dim3A_455 : i1 to vector<16xi1>
      %masked_cumsum3A_457 = tpu.scan <sum>, %add3A_454 masked %broadcast_in_dim3A_456 : vector<16xf32>, vector<16xi1> -> vector<16xf32>
      %swap3A_458 = arith.index_cast %add3A_429 : i32 to index
      %swap3A_459 = tpu.vector_load %arg25[%swap3A_458] masked %eq3A_181 {strides = array<i32>} : memref<528xf32, #tpu.memory_space<vmem>>, vector<16xf32>, vector<16xi1>
      tpu.vector_store %arg25[%swap3A_458], %masked_cumsum3A_457 masked %eq3A_181 {strides = array<i32>} : memref<528xf32, #tpu.memory_space<vmem>>, vector<16xf32>, vector<16xi1>
      %add3A_460 = arith.constant 8 : i32
      %add3A_461 = arith.addi %add3A_429, %add3A_460 : i32
      %lt3A_462 = arith.constant 512 : i32
      %lt3A_463 = arith.cmpi slt, %add3A_461, %lt3A_462 : i32
      %convert_element_type3A_464 = arith.extui %lt3A_463 : i1 to i32
      %cond3A_465 = arith.constant 0 : i32
      %cond3A_466 = arith.cmpi ne, %convert_element_type3A_464, %cond3A_465 : i32
      scf.if %cond3A_466 {
        %slice3A_506 = vector.extract_strided_slice %get3A_194 {offsets = [14], sizes = [1], strides = [1]} : vector<16xi32> to vector<1xi32>
        %squeeze3A_507 = vector.extract %slice3A_506[0] : i32 from vector<1xi32>
        %slice3A_508 = vector.extract_strided_slice %get3A_196 {offsets = [14], sizes = [1], strides = [1]} : vector<16xi32> to vector<1xi32>
        %squeeze3A_509 = vector.extract %slice3A_508[0] : i32 from vector<1xi32>
        %shift_right_arithmetic3A_510 = arith.constant 7 : i32
        %shift_right_arithmetic3A_511 = arith.shrsi %squeeze3A_507, %shift_right_arithmetic3A_510 : i32
        %mul3A_512 = arith.constant 128 : i32
        %mul3A_513 = arith.muli %shift_right_arithmetic3A_511, %mul3A_512 : i32
        %multiple_of3A_514 = tpu.assume_multiple %mul3A_513, 128 : i32
        %dma_start3A_515 = arith.constant 0 : i32
        %dma_start3A_516 = tpu.memref_slice %arg4[%dma_start3A_515, %multiple_of3A_514] : memref<32x1000000xf32, #tpu.memory_space<hbm>> -> memref<32x128xf32, #tpu.memory_space<hbm>>
        %dma_start3A_517 = arith.constant 0 : i32
        %dma_start3A_518 = tpu.memref_slice %arg4[%dma_start3A_517, %multiple_of3A_514] : memref<32x1000000xf32, #tpu.memory_space<hbm>> -> memref<32x128xf32, #tpu.memory_space<hbm>>
        tpu.enqueue_dma source(%dma_start3A_518 : memref<32x128xf32, #tpu.memory_space<hbm>>) target(%arg15 : memref<32x128xf32, #tpu.memory_space<vmem>>) target_semaphore(%arg26 : memref<!tpu.dma_semaphore, #tpu.memory_space<semaphore_mem>>)
        %shift_right_arithmetic3A_519 = arith.constant 7 : i32
        %shift_right_arithmetic3A_520 = arith.shrsi %squeeze3A_509, %shift_right_arithmetic3A_519 : i32
        %mul3A_521 = arith.constant 128 : i32
        %mul3A_522 = arith.muli %shift_right_arithmetic3A_520, %mul3A_521 : i32
        %multiple_of3A_523 = tpu.assume_multiple %mul3A_522, 128 : i32
        %dma_start3A_524 = arith.constant 0 : i32
        %dma_start3A_525 = tpu.memref_slice %arg5[%dma_start3A_524, %multiple_of3A_523] : memref<32x1000000xf32, #tpu.memory_space<hbm>> -> memref<32x128xf32, #tpu.memory_space<hbm>>
        %dma_start3A_526 = arith.constant 0 : i32
        %dma_start3A_527 = tpu.memref_slice %arg5[%dma_start3A_526, %multiple_of3A_523] : memref<32x1000000xf32, #tpu.memory_space<hbm>> -> memref<32x128xf32, #tpu.memory_space<hbm>>
        tpu.enqueue_dma source(%dma_start3A_527 : memref<32x128xf32, #tpu.memory_space<hbm>>) target(%arg23 : memref<32x128xf32, #tpu.memory_space<vmem>>) target_semaphore(%arg27 : memref<!tpu.dma_semaphore, #tpu.memory_space<semaphore_mem>>)
      } else {
      }
      %add3A_467 = arith.constant 7 : i32
      %add3A_468 = arith.addi %mul3A_192, %add3A_467 : i32
      %dma_wait3A_469 = arith.constant 0 : i32
      %dma_wait3A_470 = arith.constant 0 : i32
      %dma_wait3A_471 = tpu.memref_slice %arg4[%dma_wait3A_469, %dma_wait3A_470] : memref<32x1000000xf32, #tpu.memory_space<hbm>> -> memref<32x128xf32, #tpu.memory_space<hbm>>
      %dma_wait3A_472 = arith.constant 0 : i32
      %dma_wait3A_473 = arith.constant 0 : i32
      %dma_wait3A_474 = tpu.memref_slice %arg4[%dma_wait3A_472, %dma_wait3A_473] : memref<32x1000000xf32, #tpu.memory_space<hbm>> -> memref<32x128xf32, #tpu.memory_space<hbm>>
      tpu.wait_dma2 semaphore(%arg26 : memref<!tpu.dma_semaphore, #tpu.memory_space<semaphore_mem>>) src(%dma_wait3A_474 : memref<32x128xf32, #tpu.memory_space<hbm>>) dst(%arg16 : memref<32x128xf32, #tpu.memory_space<vmem>>)
      %dma_wait3A_475 = arith.constant 0 : i32
      %dma_wait3A_476 = arith.constant 0 : i32
      %dma_wait3A_477 = tpu.memref_slice %arg5[%dma_wait3A_475, %dma_wait3A_476] : memref<32x1000000xf32, #tpu.memory_space<hbm>> -> memref<32x128xf32, #tpu.memory_space<hbm>>
      %dma_wait3A_478 = arith.constant 0 : i32
      %dma_wait3A_479 = arith.constant 0 : i32
      %dma_wait3A_480 = tpu.memref_slice %arg5[%dma_wait3A_478, %dma_wait3A_479] : memref<32x1000000xf32, #tpu.memory_space<hbm>> -> memref<32x128xf32, #tpu.memory_space<hbm>>
      tpu.wait_dma2 semaphore(%arg27 : memref<!tpu.dma_semaphore, #tpu.memory_space<semaphore_mem>>) src(%dma_wait3A_480 : memref<32x128xf32, #tpu.memory_space<hbm>>) dst(%arg24 : memref<32x128xf32, #tpu.memory_space<vmem>>)
      %slice3A_481 = vector.extract_strided_slice %and3A_198 {offsets = [7], sizes = [1], strides = [1]} : vector<16xi32> to vector<1xi32>
      %squeeze3A_482 = vector.extract %slice3A_481[0] : i32 from vector<1xi32>
      %broadcast_in_dim3A_483 = vector.broadcast %squeeze3A_482 : i32 to vector<16xi32>
      %slice3A_484 = vector.extract_strided_slice %and3A_201 {offsets = [7], sizes = [1], strides = [1]} : vector<16xi32> to vector<1xi32>
      %squeeze3A_485 = vector.extract %slice3A_484[0] : i32 from vector<1xi32>
      %broadcast_in_dim3A_486 = vector.broadcast %squeeze3A_485 : i32 to vector<16xi32>
      %gather3A_487 = tpu.vector_load_idx %arg16[%iota3A, %broadcast_in_dim3A_483] : memref<32x128xf32, #tpu.memory_space<vmem>>[vector<16xi32>, vector<16xi32>], vector<16xf32>,
      %gather3A_488 = tpu.vector_load_idx %arg16[%add3A_179, %broadcast_in_dim3A_483] : memref<32x128xf32, #tpu.memory_space<vmem>>[vector<16xi32>, vector<16xi32>], vector<16xf32>,
      %gather3A_489 = tpu.vector_load_idx %arg24[%iota3A, %broadcast_in_dim3A_486] : memref<32x128xf32, #tpu.memory_space<vmem>>[vector<16xi32>, vector<16xi32>], vector<16xf32>,
      %gather3A_490 = tpu.vector_load_idx %arg24[%add3A_179, %broadcast_in_dim3A_486] : memref<32x128xf32, #tpu.memory_space<vmem>>[vector<16xi32>, vector<16xi32>], vector<16xf32>,
      %mul3A_491 = arith.mulf %gather3A_487, %gather3A_489 : vector<16xf32>
      %mul3A_492 = arith.mulf %gather3A_488, %gather3A_490 : vector<16xf32>
      %add3A_493 = arith.addf %mul3A_491, %mul3A_492 : vector<16xf32>
      %broadcast_in_dim3A_494 = arith.constant true
      %broadcast_in_dim3A_495 = vector.broadcast %broadcast_in_dim3A_494 : i1 to vector<16xi1>
      %masked_cumsum3A_496 = tpu.scan <sum>, %add3A_493 masked %broadcast_in_dim3A_495 : vector<16xf32>, vector<16xi1> -> vector<16xf32>
      %swap3A_497 = arith.index_cast %add3A_468 : i32 to index
      %swap3A_498 = tpu.vector_load %arg25[%swap3A_497] masked %eq3A_181 {strides = array<i32>} : memref<528xf32, #tpu.memory_space<vmem>>, vector<16xf32>, vector<16xi1>
      tpu.vector_store %arg25[%swap3A_497], %masked_cumsum3A_496 masked %eq3A_181 {strides = array<i32>} : memref<528xf32, #tpu.memory_space<vmem>>, vector<16xf32>, vector<16xi1>
      %add3A_499 = arith.constant 8 : i32
      %add3A_500 = arith.addi %add3A_468, %add3A_499 : i32
      %lt3A_501 = arith.constant 512 : i32
      %lt3A_502 = arith.cmpi slt, %add3A_500, %lt3A_501 : i32
      %convert_element_type3A_503 = arith.extui %lt3A_502 : i1 to i32
      %cond3A_504 = arith.constant 0 : i32
      %cond3A_505 = arith.cmpi ne, %convert_element_type3A_503, %cond3A_504 : i32
      scf.if %cond3A_505 {
        %slice3A_506 = vector.extract_strided_slice %get3A_194 {offsets = [15], sizes = [1], strides = [1]} : vector<16xi32> to vector<1xi32>
        %squeeze3A_507 = vector.extract %slice3A_506[0] : i32 from vector<1xi32>
        %slice3A_508 = vector.extract_strided_slice %get3A_196 {offsets = [15], sizes = [1], strides = [1]} : vector<16xi32> to vector<1xi32>
        %squeeze3A_509 = vector.extract %slice3A_508[0] : i32 from vector<1xi32>
        %shift_right_arithmetic3A_510 = arith.constant 7 : i32
        %shift_right_arithmetic3A_511 = arith.shrsi %squeeze3A_507, %shift_right_arithmetic3A_510 : i32
        %mul3A_512 = arith.constant 128 : i32
        %mul3A_513 = arith.muli %shift_right_arithmetic3A_511, %mul3A_512 : i32
        %multiple_of3A_514 = tpu.assume_multiple %mul3A_513, 128 : i32
        %dma_start3A_515 = arith.constant 0 : i32
        %dma_start3A_516 = tpu.memref_slice %arg4[%dma_start3A_515, %multiple_of3A_514] : memref<32x1000000xf32, #tpu.memory_space<hbm>> -> memref<32x128xf32, #tpu.memory_space<hbm>>
        %dma_start3A_517 = arith.constant 0 : i32
        %dma_start3A_518 = tpu.memref_slice %arg4[%dma_start3A_517, %multiple_of3A_514] : memref<32x1000000xf32, #tpu.memory_space<hbm>> -> memref<32x128xf32, #tpu.memory_space<hbm>>
        tpu.enqueue_dma source(%dma_start3A_518 : memref<32x128xf32, #tpu.memory_space<hbm>>) target(%arg16 : memref<32x128xf32, #tpu.memory_space<vmem>>) target_semaphore(%arg26 : memref<!tpu.dma_semaphore, #tpu.memory_space<semaphore_mem>>)
        %shift_right_arithmetic3A_519 = arith.constant 7 : i32
        %shift_right_arithmetic3A_520 = arith.shrsi %squeeze3A_509, %shift_right_arithmetic3A_519 : i32
        %mul3A_521 = arith.constant 128 : i32
        %mul3A_522 = arith.muli %shift_right_arithmetic3A_520, %mul3A_521 : i32
        %multiple_of3A_523 = tpu.assume_multiple %mul3A_522, 128 : i32
        %dma_start3A_524 = arith.constant 0 : i32
        %dma_start3A_525 = tpu.memref_slice %arg5[%dma_start3A_524, %multiple_of3A_523] : memref<32x1000000xf32, #tpu.memory_space<hbm>> -> memref<32x128xf32, #tpu.memory_space<hbm>>
        %dma_start3A_526 = arith.constant 0 : i32
        %dma_start3A_527 = tpu.memref_slice %arg5[%dma_start3A_526, %multiple_of3A_523] : memref<32x1000000xf32, #tpu.memory_space<hbm>> -> memref<32x128xf32, #tpu.memory_space<hbm>>
        tpu.enqueue_dma source(%dma_start3A_527 : memref<32x128xf32, #tpu.memory_space<hbm>>) target(%arg24 : memref<32x128xf32, #tpu.memory_space<vmem>>) target_semaphore(%arg27 : memref<!tpu.dma_semaphore, #tpu.memory_space<semaphore_mem>>)
      } else {
      }
    }
    %scan3A_185 = arith.constant 64 : i32
    "tpu.region"() ({
      %run_scoped3A = tpu.sem_alloc : memref<!tpu.dma_semaphore, #tpu.memory_space<semaphore_mem>>
      %dma_start3A_186 = arith.constant 0 : i32
      %dma_start3A_187 = tpu.memref_slice %arg25[%dma_start3A_186] : memref<528xf32, #tpu.memory_space<vmem>> -> memref<512xf32, #tpu.memory_space<vmem>>
      %dma_start3A_188 = tpu.memref_slice %arg6[%mul3A_2] : memref<16384xf32, #tpu.memory_space<hbm>> -> memref<512xf32, #tpu.memory_space<hbm>>
      %dma_start3A_189 = tpu.memref_slice %arg6[%mul3A_2] : memref<16384xf32, #tpu.memory_space<hbm>> -> memref<512xf32, #tpu.memory_space<hbm>>
      %dma_start3A_190 = arith.constant 0 : i32
      %dma_start3A_191 = tpu.memref_slice %arg25[%dma_start3A_190] : memref<528xf32, #tpu.memory_space<vmem>> -> memref<512xf32, #tpu.memory_space<vmem>>
      tpu.enqueue_dma source(%dma_start3A_191 : memref<512xf32, #tpu.memory_space<vmem>>) target(%dma_start3A_189 : memref<512xf32, #tpu.memory_space<hbm>>) target_semaphore(%run_scoped3A : memref<!tpu.dma_semaphore, #tpu.memory_space<semaphore_mem>>)
      %dma_wait3A = arith.constant 0 : i32
      %dma_wait3A_192 = tpu.memref_slice %arg25[%dma_wait3A] : memref<528xf32, #tpu.memory_space<vmem>> -> memref<512xf32, #tpu.memory_space<vmem>>
      %dma_wait3A_193 = tpu.memref_slice %arg6[%mul3A_2] : memref<16384xf32, #tpu.memory_space<hbm>> -> memref<512xf32, #tpu.memory_space<hbm>>
      %dma_wait3A_194 = tpu.memref_slice %arg6[%mul3A_2] : memref<16384xf32, #tpu.memory_space<hbm>> -> memref<512xf32, #tpu.memory_space<hbm>>
      %dma_wait3A_195 = arith.constant 0 : i32
      %dma_wait3A_196 = tpu.memref_slice %arg25[%dma_wait3A_195] : memref<528xf32, #tpu.memory_space<vmem>> -> memref<512xf32, #tpu.memory_space<vmem>>
      tpu.wait_dma2 semaphore(%run_scoped3A : memref<!tpu.dma_semaphore, #tpu.memory_space<semaphore_mem>>) src(%dma_wait3A_196 : memref<512xf32, #tpu.memory_space<vmem>>) dst(%dma_wait3A_194 : memref<512xf32, #tpu.memory_space<hbm>>)
      tpu.yield
    }) : () -> ()
    return
  }
}

</mosaic_0001>

<sc_bundles>
// kernel: kernel.3.cloned.1.call-start
scs
__scs_entry_jumppad:
0x0: {  	(pc) =	sbr.rel $0x88, $3  }
0x1: {  	(tag) =	ssettag $0x0;
	lr =	simm.s32 $0x1  }
0x2: {  	[smem:$0x3F9D] =	sst lr;
	_ =	strace $0xD0000000  }
0x3: {  	_ = 	snop  }
0x4: {  	_ = 	snop  }
0x5: {  	_ = 	snop  }
0x6: {  	_ = 	snop  }
0x7: {  	_ = 	snop  }
__scs_overlays_trampoline_lowered:
0x8: {  	[smem:$0x3FAC] =	sst s0  }
0x9: {  	[smem:$0x3FAD] =	sst s1  }
0xa: {  	[smem:$0x3FAE] =	sst s2  }
0xb: {  	[smem:$0x3FAF] =	sst s3  }
0xc: {  	[smem:$0x3FB0] =	sst s4  }
0xd: {  	[smem:$0x3FB1] =	sst s5  }
0xe: {  	[smem:$0x3FB2] =	sst s6  }
0xf: {  	[smem:$0x3FB3] =	sst s7  }
0x10: {  	[smem:$0x3FB4] =	sst s8  }
0x11: {  	[smem:$0x3FB5] =	sst s9;
	s0 =	simm.s32 @!p0 $0x0  }
0x12: {  	s1 =	sld [smem:$0x3F9B];
	s0 =	simm.s32 @p0 $0x1  }
0x13: {  	[smem:$0x3FB6] =	sst s0;
	s0 =	simm.s32 @!p1 $0x0  }
0x14: {  	s2 =	sld [smem:$0x3F9A];
	s0 =	simm.s32 @p1 $0x1  }
0x15: {  	[smem:$0x3FB7] =	sst s0;
	s0 =	simm.s32 @!p2 $0x0  }
0x16: {  	s3 =	sld [smem:$0x3FDB];
	s0 =	simm.s32 @p2 $0x1  }
0x17: {  	s4 =	simm.s32 $0x1BF5;
	[smem:$0x3FB9] =	sst s0  }
0x18: {  	s0 =	sld [smem:$0x3F9C];
	_ =	swait.ge [sflag:s4], $0x0  }
0x19: {  	s7 =	sld [smem:$0x3F9D]  }
0x1a: {  	s8 =	sadd.s32 $0xFFFFE003, lr  }
0x1b: {  	s9 =	sadd.s32 $0xFFFFFEF7, lr;
	s5 =	simm.s32 $0xFFFFFFFF;
	p2 =	slt.u32 s8, $0xFFFFF086  }
0x1c: {  	p1 =	slt.u32 s9, $0xF7A;
	s5 =	simm.s32 @!p2 $0x0  }
0x1d: {  	s5 =	simm.s32 @p1 $0x1;
	p0 =	seq.s32 s7, s2  }
0x1e: {  	s7 =	smul.u32 @!p0 $0xF7A, s2;
	p2 =	seq.s32 @!p0 s5, $0x0  }
0x1f: {  	s9 =	smul.u32 $0xF7A, s1;
	s8 =	simm.s32 @!p0 $0x1BF5;
	p2 =	por !p2, p0  }
0x20: {  	[sflag:s8] =	ssyncset.s32 @!p0 $0xFFFFF086;
	s6 =	sadd.s32 @!p0 s3, s7;
	s7 =	simm.s32 @!p0 $0x108  }
0x21: {  	s3 =	sadd.s32 s3, s9;
	s6 =	sadd.s32 @!p0 $0x88, s6;
	s7 =	simm.s32 @p2 $0x1082  }
0x22: {  	[simem:s7], [sflag:s8] =	dma.local @!p0 [hbm:s6], $0xF7A  }
0x23: {  	s9 =	sor.u32 $0xD0000000, s2;
	s6 =	simm.s32 $0x108;
	_ =	swait.ge @!p0 [sflag:s8], $0x0  }
0x24: {  	s3 =	sadd.s32 $0x88, s3;
	s6 =	simm.s32 @!p1 $0x1082;
	[sflag:s4] =	ssyncset.s32 $0xFFFFF086  }
0x25: {  	[simem:s6], [sflag:s4] =	dma.local [hbm:s3], $0xF7A  }
0x26: {  	[smem:$0x3F9D] =	sst s1;
	(tag) =	ssettag s2;
	_ =	strace s9  }
0x27: {  	s1 =	sld [smem:$0x3FAD]  }
0x28: {  	s2 =	sld [smem:$0x3FAE]  }
0x29: {  	s4 =	sld [smem:$0x3FB0]  }
0x2a: {  	p0 =	seq.s32 s5, $0x0;
	s5 =	sld [smem:$0x3FB1]  }
0x2b: {  	s6 =	sld [smem:$0x3FB2]  }
0x2c: {  	s7 =	sld [smem:$0x3FB3]  }
0x2d: {  	s3 =	simm.s32 $0x108;
	s8 =	sld [smem:$0x3FB4]  }
0x2e: {  	s3 =	simm.s32 @!p0 $0x1082;
	s9 =	sld [smem:$0x3FB5]  }
0x2f: {  	lr =	sadd.s32 s0, s3;
	s0 =	sld [smem:$0x3FAC]  }
0x30: {  	s3 =	sld [smem:$0x3FAF]  }
0x31: {  	[smem:$0x3FB8] =	sst s10  }
0x32: {  	s10 =	sld [smem:$0x3FB6];
	_ =	sdelay $0x3  }
0x33: {  	p0 =	seq.s32 s10, $0x1;
	s10 =	sld [smem:$0x3FB8];
	_ =	sdelay $0x3  }
0x34: {  	[smem:$0x3FB8] =	sst s10  }
0x35: {  	s10 =	sld [smem:$0x3FB7];
	_ =	sdelay $0x3  }
0x36: {  	p1 =	seq.s32 s10, $0x1;
	s10 =	sld [smem:$0x3FB8];
	_ =	sdelay $0x3  }
0x37: {  	[smem:$0x3FB8] =	sst s10  }
0x38: {  	s10 =	sld [smem:$0x3FB9]  }
0x39: {  	_ = 	snop;
	(pc) =	sbr.ind lr, $3  }
0x3a: {  	_ = 	snop  }
0x3b: {  	_ = 	snop  }
0x3c: {  	p2 =	seq.s32 s10, $0x1;
	s10 =	sld [smem:$0x3FB8]  }
0x3d: {  	_ =	shalt  }
0x3e: {  	_ =	shalt  }
0x3f: {  	_ =	shalt  }
0x40: {  	_ =	shalt  }
0x41: {  	_ =	shalt  }
0x42: {  	_ =	shalt  }
0x43: {  	_ =	shalt  }
0x44: {  	_ =	shalt  }
0x45: {  	_ =	shalt  }
0x46: {  	_ =	shalt  }
0x47: {  	_ =	shalt  }
0x48: {  	_ =	shalt  }
0x49: {  	_ =	shalt  }
0x4a: {  	_ =	shalt  }
0x4b: {  	_ =	shalt  }
0x4c: {  	_ =	shalt  }
0x4d: {  	_ =	shalt  }
0x4e: {  	_ =	shalt  }
0x4f: {  	_ =	shalt  }
0x50: {  	_ =	shalt  }
0x51: {  	_ =	shalt  }
0x52: {  	_ =	shalt  }
0x53: {  	_ =	shalt  }
0x54: {  	_ =	shalt  }
0x55: {  	_ =	shalt  }
0x56: {  	_ =	shalt  }
0x57: {  	_ =	shalt  }
0x58: {  	_ =	shalt  }
0x59: {  	_ =	shalt  }
0x5a: {  	_ =	shalt  }
0x5b: {  	_ =	shalt  }
0x5c: {  	_ =	shalt  }
0x5d: {  	_ =	shalt  }
0x5e: {  	_ =	shalt  }
0x5f: {  	_ =	shalt  }
0x60: {  	_ =	shalt  }
0x61: {  	_ =	shalt  }
0x62: {  	_ =	shalt  }
0x63: {  	_ =	shalt  }
0x64: {  	_ =	shalt  }
0x65: {  	_ =	shalt  }
0x66: {  	_ =	shalt  }
0x67: {  	_ =	shalt  }
0x68: {  	_ =	shalt  }
0x69: {  	_ =	shalt  }
0x6a: {  	_ =	shalt  }
0x6b: {  	_ =	shalt  }
0x6c: {  	_ =	shalt  }
0x6d: {  	_ =	shalt  }
0x6e: {  	_ =	shalt  }
0x6f: {  	_ =	shalt  }
0x70: {  	_ =	shalt  }
0x71: {  	_ =	shalt  }
0x72: {  	_ =	shalt  }
0x73: {  	_ =	shalt  }
0x74: {  	_ =	shalt  }
0x75: {  	_ =	shalt  }
0x76: {  	_ =	shalt  }
0x77: {  	_ =	shalt  }
0x78: {  	_ =	shalt  }
0x79: {  	_ =	shalt  }
0x7a: {  	_ =	shalt  }
0x7b: {  	_ =	shalt  }
0x7c: {  	_ =	shalt  }
0x7d: {  	_ =	shalt  }
0x7e: {  	_ =	shalt  }
0x7f: {  	_ =	shalt  }
0x80: {  	_ =	shalt  }
0x81: {  	_ =	shalt  }
0x82: {  	_ =	shalt  }
0x83: {  	_ =	shalt  }
0x84: {  	_ =	shalt  }
0x85: {  	_ =	shalt  }
0x86: {  	_ =	shalt  }
0x87: {  	_ =	shalt  }
.Lfunc_end0:
.L_simem_size_0:
called_computation_lowered:
.L_overlay_start_0:
0x88: {  	s2 =	sld [smem:$0x3FD9]  }
0x89: {  	s3 =	sld [smem:$0x3FFE];
	_ =	sdelay $0x1  }
0x8a: {  	s1 =	srdreg.scid  }
0x8b: {  	s0 =	sand.u32 $0x1, s1  }
0x8c: {  	s18 =	sshll.u32 s0, $0xA;
	s2 =	sadd.s32 s3, s2  }
0x8d: {  	s2 =	sadd.s32 s2, s18  }
0x8e: {  	[smem:$0x3FC4] =	sst s2  }
0x8f: {  	_ = 	snop  }
0x90: {  	s2 =	sld [smem:$0x3FC9]  }
0x91: {  	s19 =	sld [smem:$0x3FC8]  }
0x92: {  	s4 =	sld [smem:$0x3FC7]  }
0x93: {  	s5 =	sld [smem:$0x3FC6]  }
0x94: {  	s6 =	sld [smem:$0x3FD0];
	(tm) =	ssettm $0x1  }
0x95: {  	s7 =	sld [smem:$0x3FFB];
	_ =	sdelay $0x3  }
0x96: {  	_ =	strace s7  }
0x97: {  	s7 =	sld [smem:$0x3FFC];
	_ =	sdelay $0x3  }
0x98: {  	_ =	strace s7  }
0x99: {  	s7 =	sld [smem:$0x3FFD];
	_ =	sdelay $0x3  }
0x9a: {  	_ =	strace s7  }
0x9b: {  	_ =	strace $0x8FFFFFFF  }
0x9c: {  	s20 =	sld [smem:$0x3FDB];
	_ =	sdelay $0x1  }
0x9d: {  	s8 =	simm.s32 $_scs_section_size  }
0x9e: {  	s9 =	simm.s32 $_size__tile_overlayer_lowered;
	s10 =	simm.s32 $_tile_overlayer_lowered  }
0x9f: {  	s23 =	simm.s32 $0x1BFF;
	s22 =	sshll.u32 s10, $0x1;
	s7 =	sadd.s32 s8, s20  }
0xa0: {  	s11 =	simm.s32 $0x0;
	s21 =	sshll.u32 s9, $0x1;
	s9 =	sadd.s32 s22, s7  }
0xa1: {  	[timem:s11], [sflag:s23] =	dma.local [hbm:s9], s21  }
0xa2: {  	_ =	swait.ge [sflag:s23], s21  }
0xa3: {  	s8 =	ssub.s32 $0x0, s21;
	[sflag:s23] =	ssyncset.done $0x0  }
0xa4: {  	[sflag:s23] =	ssyncadd.s32 s8;
	_ =	sdelay $0x1  }
0xa5: {  	s24 =	simm.s32 $0x1B8B  }
0xa6: {  	_ =	swait.ge [sflag:s24], $0x1  }
0xa7: {  	[sflag:s24] =	ssyncset.done $0x0  }
0xa8: {  	s25 =	simm.s32 $0x1B8E;
	[sflag:s24] =	ssyncadd.s32 $0xFFFFFFFF  }
0xa9: {  	s26 =	simm.s32 $execute0_lowered;
	[smem:$0x3FD2] =	sst s25  }
0xaa: {  	s8 =	sshll.u32 s26, $0x1;
	_ =	strace $0x80000046;
	[dreg:$0x1] =	wrdreg $0xFFFFFFFF  }
0xab: {  	s28 =	simm.s32 $_size_execute0_lowered;
	s7 =	sadd.s32 s7, s8;
	[dreg:$0x0] =	wrdreg $0x0  }
0xac: {  	s8 =	sshll.u32 s28, $0x1;
	[dreg:$0x2] =	wrdreg s7  }
0xad: {  	[dreg:$0x3] =	wrdreg s8  }
0xae: {  	[dreg:$0x4] =	wrdreg $0xC0  }
0xaf: {  	_ =	task [dreg:s11], $0x5FFFF  }
0xb0: {  	[dreg:$0x1] =	wrdreg $0xFFFFFFFF  }
0xb1: {  	[dreg:$0x0] =	wrdreg $0x60  }
0xb2: {  	[dreg:$0x2] =	wrdreg s2  }
0xb3: {  	[dreg:$0x3] =	wrdreg s19  }
0xb4: {  	[dreg:$0x4] =	wrdreg s4  }
0xb5: {  	[dreg:$0x5] =	wrdreg s5  }
0xb6: {  	[dreg:$0x6] =	wrdreg s6  }
0xb7: {  	[dreg:$0x7] =	wrdreg $0x9  }
0xb8: {  	_ =	task.clear_ibuf [dreg:s11], $0x8FFFF;
	_ =	strace $0x90000046  }
0xb9: {  	s29 =	simm.s32 $0x9;
	_ =	strace $0x80000048  }
0xba: {  	_ =	swait.ge [sflag:s29], $0x1  }
0xbb: {  	[sflag:s29] =	ssyncadd.s32 $0xFFFFFFFF  }
0xbc: {  	_ =	strace $0x90000048  }
0xbd: {  	_ =	sfence  }
0xbe: {  	s30 =	sld [smem:$0x0];
	_ =	sdelay $0x2  }
0xbf: {  	s31 =	sshll.u32 s1, $0xD;
	s1 =	sshrl.u32 s1, $0x2  }
0xc0: {  	s3 =	sand.u32 $0x4000, s31;
	s1 =	sadd.s32 s1, s30  }
0xc1: {  	s0 =	sor.u32 s3, s0;
	s1 =	sshll.u32 s1, $0x11  }
0xc2: {  	s0 =	sor.u32 s1, s0  }
0xc3: {  	s0 =	sadd.s32 $0x8F2B, s0  }
0xc4: {  	[sflag:s0] =	ssyncadd.remote.s32 $0x1  }
0xc5: {  	_ =	sfence.sel $0xFFFF  }
0xc6: {  	[dreg:$0x0] =	wrdreg $0xFFFFFFFF;
	(pc) =	sbr.abs _section_cstart, $3  }
0xc7: {  	[dreg:$0x1] =	wrdreg $0xFFFFFFFF  }
0xc8: {  	_ =	task.clear_ibuf [dreg:s11], $0x2FFFF;
	_ =	strace $0x9FFFFFFF  }
0xc9: {  	(tm) =	ssettm $0x7FFFFFFF  }
tec
execute0_lowered:
.L_overlay_start_1:
0x0: {  	(tag) =	ssettag $0x1  }
0x1: {  	s0 =	rddreg [dreg:$0x0]  }
0x2: {  	s3 =	rddreg [dreg:$0x1]  }
0x3: {  	s1 =	rddreg [dreg:$0x2]  }
0x4: {  	s2 =	rddreg [dreg:$0x3]  }
0x5: {  	s5 =	rddreg [dreg:$0x4];
	s6 =	srdreg.scid  }
0x6: {  	s4 =	simm.s32 $0x0;
	s8 =	stileid.u32;
	s11 =	simm.s32 $0x400  }
0x7: {  	s12 =	simm.s32 $0x7A1400;
	s13 =	simm.s32 $0x500;
	s14 =	simm.s32 $0x8500  }
0x8: {  	s15 =	simm.s32 $0x1500;
	s16 =	simm.s32 $0x9500;
	s17 =	simm.s32 $0x2500  }
0x9: {  	s18 =	simm.s32 $0xA500;
	s19 =	simm.s32 $0x3500;
	s20 =	simm.s32 $0xB500  }
0xa: {  	s21 =	simm.s32 $0x4500;
	s22 =	simm.s32 $0xC500;
	s28 =	simm.s32 $0x7500  }
0xb: {  	s29 =	simm.s32 $0xF500;
	s30 =	simm.s32 $0x1;
	s6 =	sand.u32 $0x1, s6  }
0xc: {  	s8 =	sshll.u32 s8, $0x7;
	s7 =	ssub.s32 $0x2, s6;
	s6 =	sshll.u32 s6, $0x6  }
0xd: {  	s31 =	simm.s32 $0x2;
	[smem:$0x7FF] =	sst s4;
	s6 =	sor.u32 s6, s8  }
0xe: {  	_ =	strace $0x80000047;
	s9 =	sshrl.u32 s7, $0x1;
	s0 =	sadd.s32 s0, s6  }
.Ltmp0:
0xf: {  	s24 =	sadd.s32 s3, s6;
	[dreg:$0x6] =	wrdreg s0;
	(pc) =	sbr.rel .LBB2_1-.Ltmp0, $4  }
0x10: {  	v0 =	vlaneseq.u32;
	s23 =	ssub.s32 s7, s9;
	s25 =	sadd.s32 s5, s6;
	[dreg:$0x7] =	wrdreg s24  }
0x11: {  	v0 =	vmul.u32 $0x80, v0;
	s9 =	simm.s32 $0x3;
	s3 =	simm.s32 $0x0;
	[dreg:$0x8] =	wrdreg s25  }
0x12: {  	s26 =	smax.u32 s23, $0x1;
	s23 =	simm.s32 $0x5500;
	s24 =	simm.s32 $0xD500  }
0x13: {  	vm0 =	vcmask $0x3F3C;
	v1 =	vor.u32 $0x800, v0;
	s25 =	simm.s32 $0x6500;
	[dreg:$0x9] =	wrdreg s26;
	s26 =	simm.s32 $0xE500  }
.LBB2_4:
0x14: {  	s0 =	rddreg [dreg:$0x8];
	s5 =	simm.s32 $0x10500  }
0x15: {  	[hbm4b:s0+s4] =	stream.linear.scatter [tilespmem:s5], [sflag:$0x3], $0x200, $0x38;
	[tilespmem:$0x10780] =	vst v63  }
0x16: {  	_ =	swait.ge [sflag:s9], $0x200  }
0x17: {  	s3 =	sadd.s32 $0x1, s3;
	s10 =	rddreg [dreg:$0x9]  }
0x18: {  	p0 =	sne.s32 s3, s10  }
.Ltmp1:
0x19: {  	_ = 	snop;
	(pc) =	sbr.rel @!p0 .LBB2_5-.Ltmp1, $3  }
0x1a: {  	_ =	sdelay $0x1  }
0x1b: {  	[sflag:s9] =	ssyncset.done $0x0  }
0x1c: {  	[sflag:s9] =	ssyncadd.s32 $0xFFFFFE00  }
.LBB2_1:
0x1d: {  	s0 =	rddreg [dreg:$0x6]  }
0x1e: {  	[tilespmem:s4], [sflag:$0x3] =	stream.linear.gather [hbm4b:s0+s4], $0x200, $0x38;
	[tilespmem:$0x10780] =	vst v63  }
0x1f: {  	_ =	swait.ge [sflag:s9], $0x200  }
0x20: {  	[sflag:s9] =	ssyncset.done $0x0  }
0x21: {  	s5 =	simm.s32 $0x280;
	s8 =	rddreg [dreg:$0x7];
	[sflag:s9] =	ssyncadd.s32 $0xFFFFFE00  }
0x22: {  	[tilespmem:s5], [sflag:$0x3] =	stream.linear.gather [hbm4b:s8+s4], $0x200, $0x38;
	[tilespmem:$0x10780] =	vst v63  }
0x23: {  	_ =	swait.ge [sflag:s9], $0x200  }
0x24: {  	[sflag:s9] =	ssyncset.done $0x0  }
0x25: {  	[sflag:s9] =	ssyncadd.s32 $0xFFFFFE00  }
0x26: {  	v2 =	vld [tilespmem:$0x0];
	_ =	sdelay $0x1  }
0x27: {  	v3 =	vld [tilespmem:$0x280];
	_ =	sdelay $0x2  }
0x28: {  	(v2sf) =	vpush v2, $0x0;
	_ =	sdelay $0x1  }
0x29: {  	(v2sf) =	vpush v3, $0x0;
	_ =	sdelay $0x1  }
0x2a: {  	(v2sf) =	vpush v2, $0x1;
	_ =	sdelay $0x2  }
0x2b: {  	(v2sf) =	vpush v3, $0x1;
	_ =	sdelay $0x7  }
0x2c: {  	s10 =	spop (v2sf);
	(v2sf) =	vpush v2, $0x2;
	_ =	sdelay $0x1  }
0x2d: {  	s5 =	spop (v2sf);
	(v2sf) =	vpush v3, $0x2;
	_ =	sdelay $0x1  }
0x2e: {  	s6 =	spop (v2sf);
	(v2sf) =	vpush v2, $0x3;
	_ =	sdelay $0x1  }
0x2f: {  	s0 =	sand.u32 $0xFFFFF80, s10  }
0x30: {  	s0 =	sadd.s32 s1, s0;
	s7 =	spop (v2sf);
	(v2sf) =	vpush v3, $0x3  }
0x31: {  	[tilespmem:s13], [sflag:$0x1] =	stream.strided.gather [hbm4b:s0+s11], $0x1000, s12, s11, $0x38;
	[tilespmem:$0x10780] =	vst v63  }
0x32: {  	s0 =	sand.u32 $0xFFFFF80, s5  }
0x33: {  	s0 =	sadd.s32 s2, s0  }
0x34: {  	[tilespmem:s14], [sflag:$0x2] =	stream.strided.gather [hbm4b:s0+s11], $0x1000, s12, s11, $0x38;
	[tilespmem:$0x10780] =	vst v63  }
0x35: {  	s0 =	sand.u32 $0xFFFFF80, s6  }
0x36: {  	s0 =	sadd.s32 s1, s0  }
0x37: {  	[tilespmem:s15], [sflag:$0x1] =	stream.strided.gather [hbm4b:s0+s11], $0x1000, s12, s11, $0x38;
	[tilespmem:$0x10780] =	vst v63  }
0x38: {  	s8 =	spop (v2sf);
	(v2sf) =	vpush v2, $0x4  }
0x39: {  	s0 =	sand.u32 $0xFFFFF80, s7  }
0x3a: {  	s0 =	sadd.s32 s2, s0;
	s10 =	spop (v2sf);
	(v2sf) =	vpush v3, $0x4  }
0x3b: {  	[tilespmem:s16], [sflag:$0x2] =	stream.strided.gather [hbm4b:s0+s11], $0x1000, s12, s11, $0x38;
	[tilespmem:$0x10780] =	vst v63  }
0x3c: {  	s0 =	sand.u32 $0xFFFFF80, s8;
	s5 =	spop (v2sf);
	(v2sf) =	vpush v2, $0x5  }
0x3d: {  	s0 =	sadd.s32 s1, s0  }
0x3e: {  	[tilespmem:s17], [sflag:$0x1] =	stream.strided.gather [hbm4b:s0+s11], $0x1000, s12, s11, $0x38;
	[tilespmem:$0x10780] =	vst v63  }
0x3f: {  	s6 =	spop (v2sf);
	(v2sf) =	vpush v3, $0x5  }
0x40: {  	s0 =	sand.u32 $0xFFFFF80, s10  }
0x41: {  	s0 =	sadd.s32 s2, s0  }
0x42: {  	[tilespmem:s18], [sflag:$0x2] =	stream.strided.gather [hbm4b:s0+s11], $0x1000, s12, s11, $0x38;
	[tilespmem:$0x10780] =	vst v63  }
0x43: {  	s0 =	sand.u32 $0xFFFFF80, s5  }
0x44: {  	s0 =	sadd.s32 s1, s0  }
0x45: {  	[tilespmem:s19], [sflag:$0x1] =	stream.strided.gather [hbm4b:s0+s11], $0x1000, s12, s11, $0x38;
	[tilespmem:$0x10780] =	vst v63  }
0x46: {  	s0 =	sand.u32 $0xFFFFF80, s6  }
0x47: {  	s0 =	sadd.s32 s2, s0;
	s7 =	spop (v2sf);
	(v2sf) =	vpush v2, $0x6  }
0x48: {  	[tilespmem:s20], [sflag:$0x2] =	stream.strided.gather [hbm4b:s0+s11], $0x1000, s12, s11, $0x38;
	[tilespmem:$0x10780] =	vst v63  }
0x49: {  	s8 =	spop (v2sf);
	(v2sf) =	vpush v3, $0x6  }
0x4a: {  	s0 =	sand.u32 $0xFFFFF80, s7  }
0x4b: {  	s0 =	sadd.s32 s1, s0;
	s10 =	spop (v2sf)  }
0x4c: {  	(v2sf) =	vpush v2, $0x7;
	[tilespmem:s21], [sflag:$0x1] =	stream.strided.gather [hbm4b:s0+s11], $0x1000, s12, s11, $0x38;
	[tilespmem:$0x10780] =	vst v63  }
0x4d: {  	s0 =	sand.u32 $0xFFFFF80, s8  }
0x4e: {  	s5 =	spop (v2sf);
	s0 =	sadd.s32 s2, s0  }
0x4f: {  	(v2sf) =	vpush v3, $0x7;
	[tilespmem:s22], [sflag:$0x2] =	stream.strided.gather [hbm4b:s0+s11], $0x1000, s12, s11, $0x38;
	[tilespmem:$0x10780] =	vst v63  }
0x50: {  	s0 =	sand.u32 $0xFFFFF80, s10  }
0x51: {  	s0 =	sadd.s32 s1, s0  }
0x52: {  	[tilespmem:s23], [sflag:$0x1] =	stream.strided.gather [hbm4b:s0+s11], $0x1000, s12, s11, $0x38;
	[tilespmem:$0x10780] =	vst v63  }
0x53: {  	s0 =	sand.u32 $0xFFFFF80, s5  }
0x54: {  	s0 =	sadd.s32 s2, s0  }
0x55: {  	[tilespmem:s24], [sflag:$0x2] =	stream.strided.gather [hbm4b:s0+s11], $0x1000, s12, s11, $0x38;
	[tilespmem:$0x10780] =	vst v63  }
0x56: {  	s6 =	spop (v2sf)  }
0x57: {  	s0 =	sand.u32 $0xFFFFF80, s6  }
0x58: {  	s7 =	spop (v2sf);
	s0 =	sadd.s32 s1, s0  }
0x59: {  	[tilespmem:s25], [sflag:$0x1] =	stream.strided.gather [hbm4b:s0+s11], $0x1000, s12, s11, $0x38;
	[tilespmem:$0x10780] =	vst v63  }
0x5a: {  	s0 =	sand.u32 $0xFFFFF80, s7  }
0x5b: {  	s8 =	spop (v2sf);
	s0 =	sadd.s32 s2, s0  }
0x5c: {  	[tilespmem:s26], [sflag:$0x2] =	stream.strided.gather [hbm4b:s0+s11], $0x1000, s12, s11, $0x38;
	[tilespmem:$0x10780] =	vst v63  }
0x5d: {  	s0 =	sand.u32 $0xFFFFF80, s8  }
0x5e: {  	s10 =	spop (v2sf);
	s0 =	sadd.s32 s1, s0  }
0x5f: {  	[tilespmem:s28], [sflag:$0x1] =	stream.strided.gather [hbm4b:s0+s11], $0x1000, s12, s11, $0x38;
	[tilespmem:$0x10780] =	vst v63  }
0x60: {  	s0 =	sand.u32 $0xFFFFF80, s10  }
0x61: {  	s10 =	simm.s32 $0x0;
	s0 =	sadd.s32 s2, s0  }
0x62: {  	[tilespmem:s29], [sflag:$0x2] =	stream.strided.gather [hbm4b:s0+s11], $0x1000, s12, s11, $0x38;
	[tilespmem:$0x10780] =	vst v63  }
.LBB2_2:
0x63: {  	s0 =	sshra.s32 s10, $0x2  }
0x64: {  	v2 =	vld [tilespmem:s0+$0x0];
	_ =	sdelay $0x1  }
0x65: {  	v3 =	vld [tilespmem:s0+$0x280];
	_ =	sdelay $0x2  }
0x66: {  	v5 =	vand.u32 $0x7F, v2  }
0x67: {  	v6 =	vbroadcast v5, $0x0  }
0x68: {  	_ =	swait.ge [sflag:s30], $0x1000;
	v4 =	vand.u32 $0x7F, v3  }
0x69: {  	[sflag:s30] =	ssyncset.done $0x0;
	v7 =	vbroadcast v4, $0x0;
	v8 =	vor.u32 v0, v6  }
0x6a: {  	[sflag:s30] =	ssyncadd.s32 $0xFFFFF000;
	v6 =	vor.u32 v1, v6  }
0x6b: {  	_ =	swait.ge [sflag:s31], $0x1000;
	v9 =	vor.u32 v0, v7  }
0x6c: {  	[sflag:s31] =	ssyncset.done $0x0;
	v7 =	vor.u32 v1, v7  }
0x6d: {  	[sflag:s31] =	ssyncadd.s32 $0xFFFFF000  }
0x6e: {  	v8 =	vld.idx.msk [tilespmem:v8+s13+$0x0], $0xffff  }
0x6f: {  	v6 =	vld.idx.msk [tilespmem:v6+s13+$0x0], $0xffff  }
0x70: {  	v9 =	vld.idx.msk [tilespmem:v9+s14+$0x0], $0xffff  }
0x71: {  	v7 =	vld.idx.msk [tilespmem:v7+s14+$0x0], $0xffff;
	_ =	sdelay $0x1  }
0x72: {  	p0 =	seq.s32 s10, $0x7E0  }
0x73: {  	(v2sf) =	vpush @!p0 v2, $0x8;
	_ =	sdelay $0x1  }
0x74: {  	v8 =	vmul.f32 v9, v8;
	v6 =	vmul.f32 v7, v6;
	_ =	sdelay $0x1  }
0x75: {  	(v2sf) =	vpush @!p0 v3, $0x8;
	v6 =	vadd.f32 v6, v8;
	_ =	sdelay $0x1  }
0x76: {  	(xrf2) =	vadd.scan.msk.f32 $0xffff, v6;
	_ =	sdelay $0x8  }
0x77: {  	s5 =	spop @!p0 (v2sf)  }
0x78: {  	s6 =	simm.s32 @!p0 $0x7A1400;
	s5 =	sand.u32 @!p0 $0xFFFFF80, s5;
	v6, _, _ =	vpop (xrf2)  }
0x79: {  	s8 =	simm.s32 @!p0 $0x500;
	s7 =	sadd.s32 @!p0 s1, s5;
	s5 =	simm.s32 @!p0 $0x400;
	[tilespmem:s0+$0x10500] =	vst.msk vm0, v6  }
0x7a: {  	[tilespmem:s8], [sflag:$0x1] =	stream.strided.gather @!p0 [hbm4b:s7+s5], $0x1000, s6, s5, $0x38;
	[tilespmem:$0x10780] =	vst v63  }
0x7b: {  	s7 =	spop @!p0 (v2sf)  }
0x7c: {  	s7 =	sand.u32 @!p0 $0xFFFFF80, s7  }
0x7d: {  	s8 =	simm.s32 @!p0 $0x8500;
	s7 =	sadd.s32 @!p0 s2, s7  }
0x7e: {  	v38 =	vbroadcast v5, $0x1;
	[tilespmem:s8], [sflag:$0x2] =	stream.strided.gather @!p0 [hbm4b:s7+s5], $0x1000, s6, s5, $0x38;
	[tilespmem:$0x10780] =	vst v63  }
0x7f: {  	_ =	swait.ge [sflag:s30], $0x1000  }
0x80: {  	v39 =	vbroadcast v4, $0x1;
	v40 =	vor.u32 v0, v38;
	[sflag:s30] =	ssyncset.done $0x0  }
0x81: {  	v6 =	vor.u32 v1, v38;
	[sflag:s30] =	ssyncadd.s32 $0xFFFFF000  }
0x82: {  	v41 =	vor.u32 v0, v39;
	_ =	swait.ge [sflag:s31], $0x1000  }
0x83: {  	v7 =	vor.u32 v1, v39;
	[sflag:s31] =	ssyncset.done $0x0  }
0x84: {  	[sflag:s31] =	ssyncadd.s32 $0xFFFFF000  }
0x85: {  	v8 =	vld.idx.msk [tilespmem:v40+s15+$0x0], $0xffff  }
0x86: {  	v6 =	vld.idx.msk [tilespmem:v6+s15+$0x0], $0xffff  }
0x87: {  	v9 =	vld.idx.msk [tilespmem:v41+s16+$0x0], $0xffff  }
0x88: {  	v7 =	vld.idx.msk [tilespmem:v7+s16+$0x0], $0xffff;
	_ =	sdelay $0x2  }
0x89: {  	(v2sf) =	vpush @!p0 v2, $0x9;
	_ =	sdelay $0x1  }
0x8a: {  	v8 =	vmul.f32 v9, v8;
	v6 =	vmul.f32 v7, v6;
	_ =	sdelay $0x1  }
0x8b: {  	(v2sf) =	vpush @!p0 v3, $0x9;
	v6 =	vadd.f32 v6, v8;
	_ =	sdelay $0x1  }
0x8c: {  	(xrf2) =	vadd.scan.msk.f32 $0xffff, v6;
	_ =	sdelay $0x8  }
0x8d: {  	s7 =	spop @!p0 (v2sf)  }
0x8e: {  	s7 =	sand.u32 @!p0 $0xFFFFF80, s7;
	v6, _, _ =	vpop (xrf2)  }
0x8f: {  	s8 =	simm.s32 @!p0 $0x1500;
	s7 =	sadd.s32 @!p0 s1, s7;
	[tilespmem:s0+$0x10501] =	vst.msk vm0, v6  }
0x90: {  	[tilespmem:s8], [sflag:$0x1] =	stream.strided.gather @!p0 [hbm4b:s7+s5], $0x1000, s6, s5, $0x38;
	[tilespmem:$0x10780] =	vst v63  }
0x91: {  	s7 =	spop @!p0 (v2sf)  }
0x92: {  	s7 =	sand.u32 @!p0 $0xFFFFF80, s7  }
0x93: {  	s8 =	simm.s32 @!p0 $0x9500;
	s7 =	sadd.s32 @!p0 s2, s7  }
0x94: {  	v42 =	vbroadcast v5, $0x2;
	[tilespmem:s8], [sflag:$0x2] =	stream.strided.gather @!p0 [hbm4b:s7+s5], $0x1000, s6, s5, $0x38;
	[tilespmem:$0x10780] =	vst v63  }
0x95: {  	_ =	swait.ge [sflag:s30], $0x1000  }
0x96: {  	v43 =	vbroadcast v4, $0x2;
	v44 =	vor.u32 v0, v42;
	[sflag:s30] =	ssyncset.done $0x0  }
0x97: {  	v6 =	vor.u32 v1, v42;
	[sflag:s30] =	ssyncadd.s32 $0xFFFFF000  }
0x98: {  	v45 =	vor.u32 v0, v43;
	_ =	swait.ge [sflag:s31], $0x1000  }
0x99: {  	v7 =	vor.u32 v1, v43;
	[sflag:s31] =	ssyncset.done $0x0  }
0x9a: {  	[sflag:s31] =	ssyncadd.s32 $0xFFFFF000  }
0x9b: {  	v8 =	vld.idx.msk [tilespmem:v44+s17+$0x0], $0xffff  }
0x9c: {  	v6 =	vld.idx.msk [tilespmem:v6+s17+$0x0], $0xffff  }
0x9d: {  	v9 =	vld.idx.msk [tilespmem:v45+s18+$0x0], $0xffff  }
0x9e: {  	v7 =	vld.idx.msk [tilespmem:v7+s18+$0x0], $0xffff;
	_ =	sdelay $0x2  }
0x9f: {  	(v2sf) =	vpush @!p0 v2, $0xA;
	_ =	sdelay $0x1  }
0xa0: {  	v8 =	vmul.f32 v9, v8;
	v6 =	vmul.f32 v7, v6;
	_ =	sdelay $0x1  }
0xa1: {  	(v2sf) =	vpush @!p0 v3, $0xA;
	v6 =	vadd.f32 v6, v8;
	_ =	sdelay $0x1  }
0xa2: {  	(xrf2) =	vadd.scan.msk.f32 $0xffff, v6;
	_ =	sdelay $0x8  }
0xa3: {  	s7 =	spop @!p0 (v2sf)  }
0xa4: {  	s7 =	sand.u32 @!p0 $0xFFFFF80, s7;
	v6, _, _ =	vpop (xrf2)  }
0xa5: {  	s8 =	simm.s32 @!p0 $0x2500;
	s7 =	sadd.s32 @!p0 s1, s7;
	[tilespmem:s0+$0x10502] =	vst.msk vm0, v6  }
0xa6: {  	[tilespmem:s8], [sflag:$0x1] =	stream.strided.gather @!p0 [hbm4b:s7+s5], $0x1000, s6, s5, $0x38;
	[tilespmem:$0x10780] =	vst v63  }
0xa7: {  	s7 =	spop @!p0 (v2sf)  }
0xa8: {  	s7 =	sand.u32 @!p0 $0xFFFFF80, s7  }
0xa9: {  	s8 =	simm.s32 @!p0 $0xA500;
	s7 =	sadd.s32 @!p0 s2, s7  }
0xaa: {  	v46 =	vbroadcast v5, $0x3;
	[tilespmem:s8], [sflag:$0x2] =	stream.strided.gather @!p0 [hbm4b:s7+s5], $0x1000, s6, s5, $0x38;
	[tilespmem:$0x10780] =	vst v63  }
0xab: {  	_ =	swait.ge [sflag:s30], $0x1000  }
0xac: {  	v47 =	vbroadcast v4, $0x3;
	v48 =	vor.u32 v0, v46;
	[sflag:s30] =	ssyncset.done $0x0  }
0xad: {  	v6 =	vor.u32 v1, v46;
	[sflag:s30] =	ssyncadd.s32 $0xFFFFF000  }
0xae: {  	v49 =	vor.u32 v0, v47;
	_ =	swait.ge [sflag:s31], $0x1000  }
0xaf: {  	v7 =	vor.u32 v1, v47;
	[sflag:s31] =	ssyncset.done $0x0  }
0xb0: {  	[sflag:s31] =	ssyncadd.s32 $0xFFFFF000  }
0xb1: {  	v8 =	vld.idx.msk [tilespmem:v48+s19+$0x0], $0xffff  }
0xb2: {  	v6 =	vld.idx.msk [tilespmem:v6+s19+$0x0], $0xffff  }
0xb3: {  	v9 =	vld.idx.msk [tilespmem:v49+s20+$0x0], $0xffff  }
0xb4: {  	v7 =	vld.idx.msk [tilespmem:v7+s20+$0x0], $0xffff;
	_ =	sdelay $0x2  }
0xb5: {  	(v2sf) =	vpush @!p0 v2, $0xB;
	_ =	sdelay $0x1  }
0xb6: {  	v8 =	vmul.f32 v9, v8;
	v6 =	vmul.f32 v7, v6;
	_ =	sdelay $0x1  }
0xb7: {  	(v2sf) =	vpush @!p0 v3, $0xB;
	v6 =	vadd.f32 v6, v8;
	_ =	sdelay $0x1  }
0xb8: {  	(xrf2) =	vadd.scan.msk.f32 $0xffff, v6;
	_ =	sdelay $0x8  }
0xb9: {  	s7 =	spop @!p0 (v2sf)  }
0xba: {  	s7 =	sand.u32 @!p0 $0xFFFFF80, s7;
	v6, _, _ =	vpop (xrf2)  }
0xbb: {  	s8 =	simm.s32 @!p0 $0x3500;
	s7 =	sadd.s32 @!p0 s1, s7;
	[tilespmem:s0+$0x10503] =	vst.msk vm0, v6  }
0xbc: {  	[tilespmem:s8], [sflag:$0x1] =	stream.strided.gather @!p0 [hbm4b:s7+s5], $0x1000, s6, s5, $0x38;
	[tilespmem:$0x10780] =	vst v63  }
0xbd: {  	s7 =	spop @!p0 (v2sf)  }
0xbe: {  	s7 =	sand.u32 @!p0 $0xFFFFF80, s7  }
0xbf: {  	s8 =	simm.s32 @!p0 $0xB500;
	s7 =	sadd.s32 @!p0 s2, s7  }
0xc0: {  	v50 =	vbroadcast v5, $0x4;
	[tilespmem:s8], [sflag:$0x2] =	stream.strided.gather @!p0 [hbm4b:s7+s5], $0x1000, s6, s5, $0x38;
	[tilespmem:$0x10780] =	vst v63  }
0xc1: {  	_ =	swait.ge [sflag:s30], $0x1000  }
0xc2: {  	v51 =	vbroadcast v4, $0x4;
	v52 =	vor.u32 v0, v50;
	[sflag:s30] =	ssyncset.done $0x0  }
0xc3: {  	v6 =	vor.u32 v1, v50;
	[sflag:s30] =	ssyncadd.s32 $0xFFFFF000  }
0xc4: {  	v53 =	vor.u32 v0, v51;
	_ =	swait.ge [sflag:s31], $0x1000  }
0xc5: {  	v7 =	vor.u32 v1, v51;
	[sflag:s31] =	ssyncset.done $0x0  }
0xc6: {  	[sflag:s31] =	ssyncadd.s32 $0xFFFFF000  }
0xc7: {  	v8 =	vld.idx.msk [tilespmem:v52+s21+$0x0], $0xffff  }
0xc8: {  	v6 =	vld.idx.msk [tilespmem:v6+s21+$0x0], $0xffff  }
0xc9: {  	v9 =	vld.idx.msk [tilespmem:v53+s22+$0x0], $0xffff  }
0xca: {  	v7 =	vld.idx.msk [tilespmem:v7+s22+$0x0], $0xffff;
	_ =	sdelay $0x2  }
0xcb: {  	(v2sf) =	vpush @!p0 v2, $0xC;
	_ =	sdelay $0x1  }
0xcc: {  	v8 =	vmul.f32 v9, v8;
	v6 =	vmul.f32 v7, v6;
	_ =	sdelay $0x1  }
0xcd: {  	(v2sf) =	vpush @!p0 v3, $0xC;
	v6 =	vadd.f32 v6, v8;
	_ =	sdelay $0x1  }
0xce: {  	(xrf2) =	vadd.scan.msk.f32 $0xffff, v6;
	_ =	sdelay $0x8  }
0xcf: {  	s7 =	spop @!p0 (v2sf)  }
0xd0: {  	s7 =	sand.u32 @!p0 $0xFFFFF80, s7;
	v6, _, _ =	vpop (xrf2)  }
0xd1: {  	s8 =	simm.s32 @!p0 $0x4500;
	s7 =	sadd.s32 @!p0 s1, s7;
	[tilespmem:s0+$0x10504] =	vst.msk vm0, v6  }
0xd2: {  	[tilespmem:s8], [sflag:$0x1] =	stream.strided.gather @!p0 [hbm4b:s7+s5], $0x1000, s6, s5, $0x38;
	[tilespmem:$0x10780] =	vst v63  }
0xd3: {  	s7 =	spop @!p0 (v2sf)  }
0xd4: {  	s7 =	sand.u32 @!p0 $0xFFFFF80, s7  }
0xd5: {  	s8 =	simm.s32 @!p0 $0xC500;
	s7 =	sadd.s32 @!p0 s2, s7  }
0xd6: {  	v54 =	vbroadcast v5, $0x5;
	[tilespmem:s8], [sflag:$0x2] =	stream.strided.gather @!p0 [hbm4b:s7+s5], $0x1000, s6, s5, $0x38;
	[tilespmem:$0x10780] =	vst v63  }
0xd7: {  	_ =	swait.ge [sflag:s30], $0x1000  }
0xd8: {  	v55 =	vbroadcast v4, $0x5;
	v56 =	vor.u32 v0, v54;
	[sflag:s30] =	ssyncset.done $0x0  }
0xd9: {  	v6 =	vor.u32 v1, v54;
	[sflag:s30] =	ssyncadd.s32 $0xFFFFF000  }
0xda: {  	v57 =	vor.u32 v0, v55;
	_ =	swait.ge [sflag:s31], $0x1000  }
0xdb: {  	v7 =	vor.u32 v1, v55;
	[sflag:s31] =	ssyncset.done $0x0  }
0xdc: {  	[sflag:s31] =	ssyncadd.s32 $0xFFFFF000  }
0xdd: {  	v8 =	vld.idx.msk [tilespmem:v56+s23+$0x0], $0xffff  }
0xde: {  	v6 =	vld.idx.msk [tilespmem:v6+s23+$0x0], $0xffff  }
0xdf: {  	v9 =	vld.idx.msk [tilespmem:v57+s24+$0x0], $0xffff  }
0xe0: {  	v7 =	vld.idx.msk [tilespmem:v7+s24+$0x0], $0xffff;
	_ =	sdelay $0x2  }
0xe1: {  	(v2sf) =	vpush @!p0 v2, $0xD;
	_ =	sdelay $0x1  }
0xe2: {  	v8 =	vmul.f32 v9, v8;
	v6 =	vmul.f32 v7, v6;
	_ =	sdelay $0x1  }
0xe3: {  	(v2sf) =	vpush @!p0 v3, $0xD;
	v6 =	vadd.f32 v6, v8;
	_ =	sdelay $0x1  }
0xe4: {  	(xrf2) =	vadd.scan.msk.f32 $0xffff, v6;
	_ =	sdelay $0x8  }
0xe5: {  	s7 =	spop @!p0 (v2sf)  }
0xe6: {  	s7 =	sand.u32 @!p0 $0xFFFFF80, s7;
	v6, _, _ =	vpop (xrf2)  }
0xe7: {  	s8 =	simm.s32 @!p0 $0x5500;
	s7 =	sadd.s32 @!p0 s1, s7;
	[tilespmem:s0+$0x10505] =	vst.msk vm0, v6  }
0xe8: {  	[tilespmem:s8], [sflag:$0x1] =	stream.strided.gather @!p0 [hbm4b:s7+s5], $0x1000, s6, s5, $0x38;
	[tilespmem:$0x10780] =	vst v63  }
0xe9: {  	s7 =	spop @!p0 (v2sf)  }
0xea: {  	s7 =	sand.u32 @!p0 $0xFFFFF80, s7  }
0xeb: {  	s8 =	simm.s32 @!p0 $0xD500;
	s7 =	sadd.s32 @!p0 s2, s7  }
0xec: {  	v58 =	vbroadcast v5, $0x6;
	[tilespmem:s8], [sflag:$0x2] =	stream.strided.gather @!p0 [hbm4b:s7+s5], $0x1000, s6, s5, $0x38;
	[tilespmem:$0x10780] =	vst v63  }
0xed: {  	_ =	swait.ge [sflag:s30], $0x1000  }
0xee: {  	v59 =	vbroadcast v4, $0x6;
	v60 =	vor.u32 v0, v58;
	[sflag:s30] =	ssyncset.done $0x0  }
0xef: {  	v6 =	vor.u32 v1, v58;
	[sflag:s30] =	ssyncadd.s32 $0xFFFFF000  }
0xf0: {  	v61 =	vor.u32 v0, v59;
	_ =	swait.ge [sflag:s31], $0x1000  }
0xf1: {  	v7 =	vor.u32 v1, v59;
	[sflag:s31] =	ssyncset.done $0x0  }
0xf2: {  	[sflag:s31] =	ssyncadd.s32 $0xFFFFF000  }
0xf3: {  	v8 =	vld.idx.msk [tilespmem:v60+s25+$0x0], $0xffff  }
0xf4: {  	v6 =	vld.idx.msk [tilespmem:v6+s25+$0x0], $0xffff  }
0xf5: {  	v9 =	vld.idx.msk [tilespmem:v61+s26+$0x0], $0xffff  }
0xf6: {  	v7 =	vld.idx.msk [tilespmem:v7+s26+$0x0], $0xffff;
	_ =	sdelay $0x2  }
0xf7: {  	(v2sf) =	vpush @!p0 v2, $0xE;
	_ =	sdelay $0x1  }
0xf8: {  	v8 =	vmul.f32 v9, v8;
	v6 =	vmul.f32 v7, v6;
	_ =	sdelay $0x1  }
0xf9: {  	(v2sf) =	vpush @!p0 v3, $0xE;
	v6 =	vadd.f32 v6, v8;
	_ =	sdelay $0x1  }
0xfa: {  	(xrf2) =	vadd.scan.msk.f32 $0xffff, v6;
	_ =	sdelay $0x8  }
0xfb: {  	s7 =	spop @!p0 (v2sf)  }
0xfc: {  	s7 =	sand.u32 @!p0 $0xFFFFF80, s7;
	v6, _, _ =	vpop (xrf2)  }
0xfd: {  	s8 =	simm.s32 @!p0 $0x6500;
	s7 =	sadd.s32 @!p0 s1, s7;
	[tilespmem:s0+$0x10506] =	vst.msk vm0, v6  }
0xfe: {  	[tilespmem:s8], [sflag:$0x1] =	stream.strided.gather @!p0 [hbm4b:s7+s5], $0x1000, s6, s5, $0x38;
	[tilespmem:$0x10780] =	vst v63  }
0xff: {  	s7 =	spop @!p0 (v2sf)  }
0x100: {  	s7 =	sand.u32 @!p0 $0xFFFFF80, s7  }
0x101: {  	s8 =	simm.s32 @!p0 $0xE500;
	s7 =	sadd.s32 @!p0 s2, s7  }
0x102: {  	v5 =	vbroadcast v5, $0x7;
	[tilespmem:s8], [sflag:$0x2] =	stream.strided.gather @!p0 [hbm4b:s7+s5], $0x1000, s6, s5, $0x38;
	[tilespmem:$0x10780] =	vst v63  }
0x103: {  	_ =	swait.ge [sflag:s30], $0x1000  }
0x104: {  	v4 =	vbroadcast v4, $0x7;
	v62 =	vor.u32 v0, v5;
	[sflag:s30] =	ssyncset.done $0x0  }
0x105: {  	v5 =	vor.u32 v1, v5;
	[sflag:s30] =	ssyncadd.s32 $0xFFFFF000  }
0x106: {  	v63 =	vor.u32 v0, v4;
	_ =	swait.ge [sflag:s31], $0x1000  }
0x107: {  	v4 =	vor.u32 v1, v4;
	[sflag:s31] =	ssyncset.done $0x0  }
0x108: {  	[sflag:s31] =	ssyncadd.s32 $0xFFFFF000  }
0x109: {  	v6 =	vld.idx.msk [tilespmem:v62+s28+$0x0], $0xffff  }
0x10a: {  	v5 =	vld.idx.msk [tilespmem:v5+s28+$0x0], $0xffff  }
0x10b: {  	v7 =	vld.idx.msk [tilespmem:v63+s29+$0x0], $0xffff  }
0x10c: {  	v4 =	vld.idx.msk [tilespmem:v4+s29+$0x0], $0xffff;
	_ =	sdelay $0x4  }
0x10d: {  	v6 =	vmul.f32 v7, v6;
	v4 =	vmul.f32 v4, v5;
	_ =	sdelay $0x1  }
0x10e: {  	v4 =	vadd.f32 v4, v6;
	_ =	sdelay $0x1  }
0x10f: {  	(xrf2) =	vadd.scan.msk.f32 $0xffff, v4;
	_ =	sdelay $0x6  }
.Ltmp2:
0x110: {  	_ = 	snop;
	(pc) =	sbr.rel @p0 .LBB2_4-.Ltmp2, $3  }
0x111: {  	_ =	sdelay $0x1  }
0x112: {  	v4, _, _ =	vpop (xrf2)  }
0x113: {  	[tilespmem:s0+$0x10507] =	vst.msk vm0, v4  }
0x114: {  	(v2sf) =	vpush v2, $0xF;
	_ =	sdelay $0x1  }
0x115: {  	(v2sf) =	vpush v3, $0xF;
	_ =	sdelay $0xc  }
0x116: {  	s0 =	spop (v2sf)  }
0x117: {  	s0 =	sand.u32 $0xFFFFF80, s0  }
.Ltmp3:
0x118: {  	s8 =	spop (v2sf);
	s0 =	sadd.s32 s1, s0;
	(pc) =	sbr.rel .LBB2_2-.Ltmp3, $4  }
0x119: {  	[tilespmem:s28], [sflag:$0x1] =	stream.strided.gather [hbm4b:s0+s11], $0x1000, s12, s11, $0x38;
	[tilespmem:$0x10780] =	vst v63  }
0x11a: {  	s0 =	sand.u32 $0xFFFFF80, s8  }
0x11b: {  	s10 =	sadd.s32 $0x20, s10;
	s0 =	sadd.s32 s2, s0  }
0x11c: {  	[tilespmem:s29], [sflag:$0x2] =	stream.strided.gather [hbm4b:s0+s11], $0x1000, s12, s11, $0x38;
	[tilespmem:$0x10780] =	vst v63  }
.LBB2_5:
0x11d: {  	_ =	sfence.sel $0x180000  }
0x11e: {  	[bflag:$0x0] =	sbarrier.arrive $0xFFFF  }
0x11f: {  	_ =	strace $0x90000047  }
0x120: {  	s0 =	stileid.u32;
	[bflag:$0x2] =	sbarrier.arrive $0xFFFF  }
0x121: {  	p0 =	sne.s32 s0, $0x0;
	s0 =	rddreg [dreg:$0x5]  }
0x122: {  	s0 =	sadd.s32 @!p0 $0x100000, s0  }
0x123: {  	[sflag:s0] =	ssyncadd.tile.s32 @!p0 $0x1;
	_ =	shalt  }
.Lfunc_end2:
_tile_overlayer_lowered:
.L_overlay_start_2:
0x124: {  	(tag) =	ssettag $0x2  }
0x125: {  	s0 =	rddreg [dreg:$0x0];
	s2 =	stileid.u32  }
0x126: {  	s1 =	rddreg [dreg:$0x1];
	p0 =	sne.s32 s2, $0x0  }
0x127: {  	s3 =	rddreg [dreg:$0x2];
	[bflag:$0x3] =	sbarrier.arrive $0xFFFF;
	s2 =	simm.s32 @!p0 $0x1C03  }
0x128: {  	[timem:s3], [sflag:s2] =	dma.local @!p0 [hbm:s0], s1  }
0x129: {  	s0 =	simm.s32 @!p0 $0x3  }
0x12a: {  	_ =	swait.ge @!p0 [sflag:s0], s1  }
0x12b: {  	s1 =	ssub.s32 @!p0 $0x0, s1;
	[sflag:s0] =	ssyncset.done @!p0 $0x0  }
0x12c: {  	[sflag:s0] =	ssyncadd.s32 @!p0 s1  }
0x12d: {  	[bflag:$0x3] =	sbarrier.arrive $0xFFFF  }
0x12e: {  	_ =	shalt  }

</sc_bundles>
